<compile_context>
chip_gen: v7x
topology: tpu7x:2x2x1
jax: 0.10.2.dev20260603
libtpu: 0.0.44.dev20260713+nightly
codegen_flags: <defaults>
</compile_context>

<pallas_src>
import dataclasses
import functools

import jax
import jax.numpy as jnp
from jax import lax
from jax.experimental import pallas as pl
from jax.experimental.pallas import tpu as pltpu
from jax.experimental.pallas import tpu_sc as plsc

N = 10000
H = 128
E = 320000

NC = 2
NS = 16
NW = NC * NS
CHUNK = 128
CPW = 80
E_PAD = NW * CPW * CHUNK
NPAD = 10240
ROWS_PER_SUB = NPAD // NS
DUMP = NPAD - 1
BM = 2048

def _mesh():
    return plsc.VectorSubcoreMesh(core_axis_name="c", subcore_axis_name="s",
                                  num_cores=NC, num_subcores=NS)


def _no_layout_passes():
    cp = pltpu.CompilerParams()
    if "needs_layout_passes" in pltpu.CompilerParams.__dataclass_fields__:
        cp = dataclasses.replace(cp, needs_layout_passes=False)
    return cp



EPW = E // NW


def _deg_body(ei_hbm, out_hbm, ei_v, deg_v):
    c = lax.axis_index("c")
    s = lax.axis_index("s")
    w = c * NS + s
    base = (w * EPW) // 128 * 128
    off = w * EPW - base
    pltpu.sync_copy(ei_hbm.at[:, pl.ds(base, EPW + 112)], ei_v)
    zeros16 = jnp.zeros((16,), jnp.float32)
    ones16 = jnp.ones((16,), jnp.float32)

    @pl.loop(0, NPAD // 16)
    def _zero(i):
        deg_v[pl.ds(i * 16, 16)] = zeros16

    @pl.loop(0, EPW // 16)
    def _regs(k):
        idx = ei_v[1, pl.ds(off + k * 16, 16)]
        plsc.addupdate_scatter(deg_v, [idx], ones16)

    pltpu.sync_copy(deg_v, out_hbm.at[w])


def _deg_partials(ei32):
    return pl.kernel(
        _deg_body,
        out_type=jax.ShapeDtypeStruct((NW, NPAD), jnp.float32),
        mesh=_mesh(),
        scratch_types=[
            pltpu.VMEM((2, EPW + 112), jnp.int32),
            pltpu.VMEM((NPAD,), jnp.float32),
        ],
        compiler_params=_no_layout_passes(),
    )(ei32)



NBUF = 2
HALF = CPW // 2


def _agg_body(y_hbm, src_hbm, dst_hbm, zeros_hbm, out_hbm,
              src_v, dsth_v, rows_v, acc_sh, gsems, ssems):
    c = lax.axis_index("c")
    s = lax.axis_index("s")
    w = c * NS + s
    pltpu.sync_copy(src_hbm.at[w], src_v)
    pltpu.sync_copy(zeros_hbm,
                    acc_sh.at[pl.ds(s * ROWS_PER_SUB, ROWS_PER_SUB)])
    plsc.subcore_barrier()

    for b in range(NBUF):
        pltpu.async_copy(y_hbm.at[src_v.at[b]], rows_v.at[b], gsems.at[b])

    for h in range(2):
        pltpu.sync_copy(dst_hbm.at[w, pl.ds(h * HALF, HALF)], dsth_v)

        @pl.loop(h * HALF, (h + 1) * HALF, step=NBUF)
        def _chunks(j0):
            for b in range(NBUF):
                j = j0 + b
                pltpu.make_async_copy(y_hbm.at[src_v.at[b]], rows_v.at[b],
                                      gsems.at[b]).wait()
                pltpu.async_copy(rows_v.at[b], acc_sh.at[dsth_v.at[j - h * HALF]],
                                 ssems.at[b], add=True)
            for b in range(NBUF):
                jn = j0 + b + NBUF
                pltpu.make_async_copy(rows_v.at[b], acc_sh.at[dsth_v.at[b]],
                                      ssems.at[b]).wait()

                @pl.when(jn < CPW)
                def _refill():
                    pltpu.async_copy(y_hbm.at[src_v.at[jn]], rows_v.at[b],
                                     gsems.at[b])

    plsc.subcore_barrier()
    pltpu.sync_copy(acc_sh.at[pl.ds(s * ROWS_PER_SUB, ROWS_PER_SUB)],
                    out_hbm.at[c, pl.ds(s * ROWS_PER_SUB, ROWS_PER_SUB)])


def _agg(y, src3, dst3, zeros):
    return pl.kernel(
        _agg_body,
        out_type=jax.ShapeDtypeStruct((NC, NPAD, H), jnp.float32),
        mesh=_mesh(),
        scratch_types=[
            pltpu.VMEM((CPW, CHUNK), jnp.int32),
            pltpu.VMEM((HALF, CHUNK), jnp.int32),
            pltpu.VMEM((NBUF, CHUNK, H), jnp.float32),
            pltpu.VMEM_SHARED((NPAD, H), jnp.float32),
            pltpu.SemaphoreType.DMA((NBUF,)),
            pltpu.SemaphoreType.DMA((NBUF,)),
        ],
    )(y, src3, dst3, zeros)



def _layer1_body(parts_ref, x_ref, w_ref, y_ref, dinv_ref):
    deg = jnp.sum(parts_ref[...], axis=0, keepdims=True) + 1.0
    dinv_col = jax.lax.rsqrt(deg).reshape(BM, 1)
    dinv_ref[...] = dinv_col
    y_ref[...] = jnp.dot(x_ref[...], w_ref[...],
                         preferred_element_type=jnp.float32) * dinv_col


def _layer1(parts, x, w):
    return pl.pallas_call(
        _layer1_body,
        grid=(NPAD // BM,),
        in_specs=[
            pl.BlockSpec((NW, BM), lambda i: (0, i)),
            pl.BlockSpec((BM, H), lambda i: (i, 0)),
            pl.BlockSpec((H, H), lambda i: (0, 0)),
        ],
        out_specs=[
            pl.BlockSpec((BM, H), lambda i: (i, 0)),
            pl.BlockSpec((BM, 1), lambda i: (i, 0)),
        ],
        out_shape=[
            jax.ShapeDtypeStruct((NPAD, H), jnp.float32),
            jax.ShapeDtypeStruct((NPAD, 1), jnp.float32),
        ],
    )(parts, x, w)


def _layer2_body(p_ref, y1_ref, dinv_ref, w2_ref, y2_ref):
    dinv = dinv_ref[...]
    h = jnp.maximum((p_ref[0] + p_ref[1] + y1_ref[...]) * dinv, 0.0)
    y2_ref[...] = jnp.dot(h, w2_ref[...],
                          preferred_element_type=jnp.float32) * dinv


def _layer2(p, y1, dinv, w2):
    return pl.pallas_call(
        _layer2_body,
        grid=(NPAD // BM,),
        in_specs=[
            pl.BlockSpec((NC, BM, H), lambda i: (0, i, 0)),
            pl.BlockSpec((BM, H), lambda i: (i, 0)),
            pl.BlockSpec((BM, 1), lambda i: (i, 0)),
            pl.BlockSpec((H, H), lambda i: (0, 0)),
        ],
        out_specs=pl.BlockSpec((BM, H), lambda i: (i, 0)),
        out_shape=jax.ShapeDtypeStruct((NPAD, H), jnp.float32),
    )(p, y1, dinv, w2)


def _final_body(p_ref, y2_ref, dinv_ref, o_ref):
    o_ref[...] = (p_ref[0] + p_ref[1] + y2_ref[...]) * dinv_ref[...]


def _final(p, y2, dinv):
    return pl.pallas_call(
        _final_body,
        grid=(NPAD // BM,),
        in_specs=[
            pl.BlockSpec((NC, BM, H), lambda i: (0, i, 0)),
            pl.BlockSpec((BM, H), lambda i: (i, 0)),
            pl.BlockSpec((BM, 1), lambda i: (i, 0)),
        ],
        out_specs=pl.BlockSpec((BM, H), lambda i: (i, 0)),
        out_shape=jax.ShapeDtypeStruct((N, H), jnp.float32),
    )(p, y2, dinv)



def kernel(x, edge_index, W1, W2):
    src = edge_index[0].astype(jnp.int32)
    dst = edge_index[1].astype(jnp.int32)
    pad_n = E_PAD - E
    ppw = pad_n // NW
    pad_src = jnp.arange(pad_n, dtype=jnp.int32) % N
    pad_dst = N + jnp.arange(pad_n, dtype=jnp.int32) % (NPAD - N)
    src3 = jnp.concatenate(
        [src.reshape(NW, E // NW), pad_src.reshape(NW, ppw)],
        axis=1).reshape(NW, CPW, CHUNK)
    dst3 = jnp.concatenate(
        [dst.reshape(NW, E // NW), pad_dst.reshape(NW, ppw)],
        axis=1).reshape(NW, CPW, CHUNK)
    zeros = jnp.zeros((ROWS_PER_SUB, H), jnp.float32)

    ei32 = edge_index.astype(jnp.int32)
    parts_deg = _deg_partials(ei32)
    y1, dinv = _layer1(parts_deg, x, W1)
    p1 = _agg(y1, src3, dst3, zeros)
    y2 = _layer2(p1, y1, dinv, W2)
    p2 = _agg(y2, src3, dst3, zeros)
    return _final(p2, y2, dinv)

# --- scband reference (transcript-rebuilt; emitter-appended) ---
"""Pipeline reference for scband-gcnencoder-23527830847605 (READ-ONLY COPY).

The authoritative reference and input builder live on the scoring server;
editing this copy changes nothing except your own understanding.
"""

import jax, jax.numpy as jnp
import numpy as np

N_NODES = 10000
HIDDEN = 128
N_EDGES = 320000


def setup_inputs(seed: int = 0) -> dict:
    key = jax.random.key(seed)
    k1, k2, k3, k4 = jax.random.split(key, 4)
    x = jax.random.normal(k1, (N_NODES, HIDDEN), dtype=jnp.float32)
    edge_index = jax.random.randint(k2, (2, N_EDGES), 0, N_NODES, dtype=jnp.int64)
    # GCNConv linear weights (no bias), glorot-style init, stored as [in, out]
    s = 1.0 / np.sqrt(HIDDEN)
    W1 = jax.random.uniform(k3, (HIDDEN, HIDDEN), dtype=jnp.float32, minval=-s, maxval=s)
    W2 = jax.random.uniform(k4, (HIDDEN, HIDDEN), dtype=jnp.float32, minval=-s, maxval=s)
    return {"x": x, "edge_index": edge_index, "W1": W1, "W2": W2}


def _gcn_conv(x, edge_index, W):
    num_nodes = x.shape[0]
    src = edge_index[0]
    dst = edge_index[1]
    # add self loops (PyG GCNConv default)
    loop = jnp.arange(num_nodes, dtype=src.dtype)
    src = jnp.concatenate([src, loop])
    dst = jnp.concatenate([dst, loop])
    # symmetric normalization D^{-1/2} A_hat D^{-1/2}
    deg = jnp.zeros((num_nodes,), dtype=x.dtype).at[dst].add(1.0)
    deg_inv_sqrt = jnp.where(deg > 0, 1.0 / jnp.sqrt(deg), 0.0)
    norm = deg_inv_sqrt[src] * deg_inv_sqrt[dst]
    # transform then propagate
    xw = x @ W
    msgs = xw[src] * norm[:, None]
    out = jnp.zeros_like(xw).at[dst].add(msgs)
    return out


def reference(x, edge_index, W1, W2):
    h = _gcn_conv(x, edge_index, W1)
    # dropout is identity in eval mode
    h = jax.nn.relu(h)
    out = _gcn_conv(h, edge_index, W2)
    return out

if __name__ == "__main__":
    import jax
    _d = setup_inputs()
    print(jax.jit(kernel)(*tuple(_d.values())))

</pallas_src>

<mosaic_0001>
#map = affine_map<(d0, d1) -> (0, 0)>
module attributes {stable_mosaic.version = 14 : i64} {
  func.func @_deg_body(%arg0: i32, %arg1: i32, %arg2: memref<2x320000xi32, #tpu.memory_space<hbm>>, %arg3: memref<32x10240xf32, #tpu.memory_space<hbm>>, %arg4: memref<2x10112xi32, #tpu.memory_space<vmem>>, %arg5: memref<10240xf32, #tpu.memory_space<vmem>>) attributes {dimension_semantics = [#tpu.dimension_semantics<core_parallel>, #tpu.dimension_semantics<subcore_parallel>], iteration_bounds = array<i64: 2, 16>, scalar_prefetch = 0 : i64, scratch_operands = 2 : i64, tpu.core_type = #tpu.core_type<sc_vector_subcore>, window_params = [{transform_indices = #map}, {transform_indices = #map}]} {
    %mul3A = arith.constant 16 : i32
    %mul3A_0 = arith.muli %arg0, %mul3A : i32
    %add3A = arith.addi %mul3A_0, %arg1 : i32
    %mul3A_1 = arith.constant 10000 : i32
    %mul3A_2 = arith.muli %add3A, %mul3A_1 : i32
    %jit3A = arith.constant 128 : i32
    %div3A = arith.divsi %mul3A_2, %jit3A : i32
    %sign3A = arith.constant 0 : i32
    %sign3A_3 = arith.cmpi sgt, %mul3A_2, %sign3A : i32
    %sign3A_4 = arith.extui %sign3A_3 : i1 to i32
    %sign3A_5 = arith.constant 0 : i32
    %sign3A_6 = arith.cmpi slt, %mul3A_2, %sign3A_5 : i32
    %sign3A_7 = arith.extui %sign3A_6 : i1 to i32
    %sign3A_8 = arith.subi %sign3A_4, %sign3A_7 : i32
    %sign3A_9 = arith.constant 0 : i32
    %sign3A_10 = arith.cmpi sgt, %jit3A, %sign3A_9 : i32
    %sign3A_11 = arith.extui %sign3A_10 : i1 to i32
    %sign3A_12 = arith.constant 0 : i32
    %sign3A_13 = arith.cmpi slt, %jit3A, %sign3A_12 : i32
    %sign3A_14 = arith.extui %sign3A_13 : i1 to i32
    %sign3A_15 = arith.subi %sign3A_11, %sign3A_14 : i32
    %ne3A = arith.cmpi ne, %sign3A_8, %sign3A_15 : i32
    %rem3A = arith.remsi %mul3A_2, %jit3A : i32
    %ne3A_16 = arith.constant 0 : i32
    %ne3A_17 = arith.cmpi ne, %rem3A, %ne3A_16 : i32
    %and3A = arith.andi %ne3A, %ne3A_17 : i1
    %sub3A = arith.constant 1 : i32
    %sub3A_18 = arith.subi %div3A, %sub3A : i32
    %select_n3A = arith.select %and3A, %sub3A_18, %div3A : i32
    %mul3A_19 = arith.constant 128 : i32
    %mul3A_20 = arith.muli %select_n3A, %mul3A_19 : i32
    %mul3A_21 = arith.constant 10000 : i32
    %mul3A_22 = arith.muli %add3A, %mul3A_21 : i32
    %sub3A_23 = arith.subi %mul3A_22, %mul3A_20 : i32
    "tpu.region"() ({
      %run_scoped3A = tpu.sem_alloc : memref<!tpu.dma_semaphore, #tpu.memory_space<semaphore_mem>>
      %dma_start3A = arith.constant 0 : i32
      %dma_start3A_36 = tpu.memref_slice %arg2[%dma_start3A, %mul3A_20] : memref<2x320000xi32, #tpu.memory_space<hbm>> -> memref<2x10112xi32, #tpu.memory_space<hbm>>
      %dma_start3A_37 = arith.constant 0 : i32
      %dma_start3A_38 = tpu.memref_slice %arg2[%dma_start3A_37, %mul3A_20] : memref<2x320000xi32, #tpu.memory_space<hbm>> -> memref<2x10112xi32, #tpu.memory_space<hbm>>
      tpu.enqueue_dma source(%dma_start3A_38 : memref<2x10112xi32, #tpu.memory_space<hbm>>) target(%arg4 : memref<2x10112xi32, #tpu.memory_space<vmem>>) target_semaphore(%run_scoped3A : memref<!tpu.dma_semaphore, #tpu.memory_space<semaphore_mem>>)
      %dma_wait3A = arith.constant 0 : i32
      %dma_wait3A_39 = tpu.memref_slice %arg2[%dma_wait3A, %mul3A_20] : memref<2x320000xi32, #tpu.memory_space<hbm>> -> memref<2x10112xi32, #tpu.memory_space<hbm>>
      %dma_wait3A_40 = arith.constant 0 : i32
      %dma_wait3A_41 = tpu.memref_slice %arg2[%dma_wait3A_40, %mul3A_20] : memref<2x320000xi32, #tpu.memory_space<hbm>> -> memref<2x10112xi32, #tpu.memory_space<hbm>>
      tpu.wait_dma2 semaphore(%run_scoped3A : memref<!tpu.dma_semaphore, #tpu.memory_space<semaphore_mem>>) src(%dma_wait3A_41 : memref<2x10112xi32, #tpu.memory_space<hbm>>) dst(%arg4 : memref<2x10112xi32, #tpu.memory_space<vmem>>)
      tpu.yield
    }) : () -> ()
    %broadcast_in_dim3A = arith.constant 0.000000e+00 : f32
    %broadcast_in_dim3A_24 = vector.broadcast %broadcast_in_dim3A : f32 to vector<16xf32>
    %broadcast_in_dim3A_25 = arith.constant 1.000000e+00 : f32
    %broadcast_in_dim3A_26 = vector.broadcast %broadcast_in_dim3A_25 : f32 to vector<16xf32>
    %scan3A = arith.constant 0 : i32
    %scan3A_27 = arith.constant 640 : i32
    %scan3A_28 = arith.addi %scan3A, %scan3A_27 : i32
    %scan3A_29 = arith.constant 1 : i32
    scf.for %scan3A_36 = %scan3A to %scan3A_28 step %scan3A_29  : i32 {
      %mul3A_37 = arith.constant 1 : i32
      %mul3A_38 = arith.muli %scan3A_36, %mul3A_37 : i32
      %add3A_39 = arith.constant 0 : i32
      %add3A_40 = arith.addi %add3A_39, %mul3A_38 : i32
      %mul3A_41 = arith.constant 16 : i32
      %mul3A_42 = arith.muli %add3A_40, %mul3A_41 : i32
      %swap3A = arith.index_cast %mul3A_42 : i32 to index
      %swap3A_43 = tpu.vector_load %arg5[%swap3A] {strides = array<i32>} : memref<10240xf32, #tpu.memory_space<vmem>>, vector<16xf32>,
      tpu.vector_store %arg5[%swap3A], %broadcast_in_dim3A_24 {strides = array<i32>} : memref<10240xf32, #tpu.memory_space<vmem>>, vector<16xf32>,
    }
    %scan3A_30 = arith.constant 640 : i32
    %scan3A_31 = arith.constant 0 : i32
    %scan3A_32 = arith.constant 625 : i32
    %scan3A_33 = arith.addi %scan3A_31, %scan3A_32 : i32
    %scan3A_34 = arith.constant 1 : i32
    scf.for %scan3A_36 = %scan3A_31 to %scan3A_33 step %scan3A_34  : i32 {
      %mul3A_37 = arith.constant 1 : i32
      %mul3A_38 = arith.muli %scan3A_36, %mul3A_37 : i32
      %add3A_39 = arith.constant 0 : i32
      %add3A_40 = arith.addi %add3A_39, %mul3A_38 : i32
      %mul3A_41 = arith.constant 16 : i32
      %mul3A_42 = arith.muli %add3A_40, %mul3A_41 : i32
      %add3A_43 = arith.addi %sub3A_23, %mul3A_42 : i32
      %get3A = arith.constant 1 : i32
      %get3A_44 = arith.index_cast %get3A : i32 to index
      %get3A_45 = arith.index_cast %add3A_43 : i32 to index
      %get3A_46 = tpu.vector_load %arg4[%get3A_44, %get3A_45] {strides = array<i32>} : memref<2x10112xi32, #tpu.memory_space<vmem>>, vector<16xi32>,
      tpu.vector_store_idx %arg5[%get3A_46], %broadcast_in_dim3A_26 {add = true} : memref<10240xf32, #tpu.memory_space<vmem>>[vector<16xi32>], vector<16xf32>,
    }
    %scan3A_35 = arith.constant 625 : i32
    "tpu.region"() ({
      %run_scoped3A = tpu.sem_alloc : memref<!tpu.dma_semaphore, #tpu.memory_space<semaphore_mem>>
      %dma_start3A = arith.constant 0 : i32
      %dma_start3A_36 = tpu.memref_slice %arg3[%add3A, %dma_start3A] : memref<32x10240xf32, #tpu.memory_space<hbm>> -> memref<1x10240xf32, #tpu.memory_space<hbm>>
      %dma_start3A_37 = tpu.memref_squeeze %dma_start3A_36 : memref<1x10240xf32, #tpu.memory_space<hbm>> -> memref<10240xf32, #tpu.memory_space<hbm>>
      %dma_start3A_38 = arith.constant 0 : i32
      %dma_start3A_39 = tpu.memref_slice %arg3[%add3A, %dma_start3A_38] : memref<32x10240xf32, #tpu.memory_space<hbm>> -> memref<1x10240xf32, #tpu.memory_space<hbm>>
      %dma_start3A_40 = tpu.memref_squeeze %dma_start3A_39 : memref<1x10240xf32, #tpu.memory_space<hbm>> -> memref<10240xf32, #tpu.memory_space<hbm>>
      tpu.enqueue_dma source(%arg5 : memref<10240xf32, #tpu.memory_space<vmem>>) target(%dma_start3A_40 : memref<10240xf32, #tpu.memory_space<hbm>>) target_semaphore(%run_scoped3A : memref<!tpu.dma_semaphore, #tpu.memory_space<semaphore_mem>>)
      %dma_wait3A = arith.constant 0 : i32
      %dma_wait3A_41 = tpu.memref_slice %arg3[%add3A, %dma_wait3A] : memref<32x10240xf32, #tpu.memory_space<hbm>> -> memref<1x10240xf32, #tpu.memory_space<hbm>>
      %dma_wait3A_42 = tpu.memref_squeeze %dma_wait3A_41 : memref<1x10240xf32, #tpu.memory_space<hbm>> -> memref<10240xf32, #tpu.memory_space<hbm>>
      %dma_wait3A_43 = arith.constant 0 : i32
      %dma_wait3A_44 = tpu.memref_slice %arg3[%add3A, %dma_wait3A_43] : memref<32x10240xf32, #tpu.memory_space<hbm>> -> memref<1x10240xf32, #tpu.memory_space<hbm>>
      %dma_wait3A_45 = tpu.memref_squeeze %dma_wait3A_44 : memref<1x10240xf32, #tpu.memory_space<hbm>> -> memref<10240xf32, #tpu.memory_space<hbm>>
      tpu.wait_dma2 semaphore(%run_scoped3A : memref<!tpu.dma_semaphore, #tpu.memory_space<semaphore_mem>>) src(%arg5 : memref<10240xf32, #tpu.memory_space<vmem>>) dst(%dma_wait3A_45 : memref<10240xf32, #tpu.memory_space<hbm>>)
      tpu.yield
    }) : () -> ()
    return
  }
}

#map = affine_map<(d0, d1) -> (0, 0)>
#map1 = affine_map<(d0, d1) -> (0, 0, 0)>
module attributes {stable_mosaic.version = 14 : i64} {
  func.func @_agg_body(%arg0: i32, %arg1: i32, %arg2: memref<10240x128xf32, #tpu.memory_space<hbm>>, %arg3: memref<32x80x128xi32, #tpu.memory_space<hbm>>, %arg4: memref<32x80x128xi32, #tpu.memory_space<hbm>>, %arg5: memref<640x128xf32, #tpu.memory_space<hbm>>, %arg6: memref<2x10240x128xf32, #tpu.memory_space<hbm>>, %arg7: memref<80x128xi32, #tpu.memory_space<vmem>>, %arg8: memref<40x128xi32, #tpu.memory_space<vmem>>, %arg9: memref<2x128x128xf32, #tpu.memory_space<vmem>>, %arg10: memref<10240x128xf32, #tpu.memory_space<vmem_shared>>, %arg11: memref<2x!tpu.dma_semaphore, #tpu.memory_space<semaphore_mem>>, %arg12: memref<2x!tpu.dma_semaphore, #tpu.memory_space<semaphore_mem>>) attributes {dimension_semantics = [#tpu.dimension_semantics<core_parallel>, #tpu.dimension_semantics<subcore_parallel>], iteration_bounds = array<i64: 2, 16>, scalar_prefetch = 0 : i64, scratch_operands = 6 : i64, tpu.core_type = #tpu.core_type<sc_vector_subcore>, window_params = [{transform_indices = #map}, {transform_indices = #map1}, {transform_indices = #map1}, {transform_indices = #map}, {transform_indices = #map1}]} {
    %mul3A = arith.constant 16 : i32
    %mul3A_0 = arith.muli %arg0, %mul3A : i32
    %add3A = arith.addi %mul3A_0, %arg1 : i32
    "tpu.region"() ({
      %run_scoped3A = tpu.sem_alloc : memref<!tpu.dma_semaphore, #tpu.memory_space<semaphore_mem>>
      %dma_start3A_46 = arith.constant 0 : i32
      %dma_start3A_47 = arith.constant 0 : i32
      %dma_start3A_48 = tpu.memref_slice %arg3[%add3A, %dma_start3A_46, %dma_start3A_47] : memref<32x80x128xi32, #tpu.memory_space<hbm>> -> memref<1x80x128xi32, #tpu.memory_space<hbm>>
      %dma_start3A_49 = tpu.memref_squeeze %dma_start3A_48 : memref<1x80x128xi32, #tpu.memory_space<hbm>> -> memref<80x128xi32, #tpu.memory_space<hbm>>
      %dma_start3A_50 = arith.constant 0 : i32
      %dma_start3A_51 = arith.constant 0 : i32
      %dma_start3A_52 = tpu.memref_slice %arg3[%add3A, %dma_start3A_50, %dma_start3A_51] : memref<32x80x128xi32, #tpu.memory_space<hbm>> -> memref<1x80x128xi32, #tpu.memory_space<hbm>>
      %dma_start3A_53 = tpu.memref_squeeze %dma_start3A_52 : memref<1x80x128xi32, #tpu.memory_space<hbm>> -> memref<80x128xi32, #tpu.memory_space<hbm>>
      tpu.enqueue_dma source(%dma_start3A_53 : memref<80x128xi32, #tpu.memory_space<hbm>>) target(%arg7 : memref<80x128xi32, #tpu.memory_space<vmem>>) target_semaphore(%run_scoped3A : memref<!tpu.dma_semaphore, #tpu.memory_space<semaphore_mem>>)
      %dma_wait3A = arith.constant 0 : i32
      %dma_wait3A_54 = arith.constant 0 : i32
      %dma_wait3A_55 = tpu.memref_slice %arg3[%add3A, %dma_wait3A, %dma_wait3A_54] : memref<32x80x128xi32, #tpu.memory_space<hbm>> -> memref<1x80x128xi32, #tpu.memory_space<hbm>>
      %dma_wait3A_56 = tpu.memref_squeeze %dma_wait3A_55 : memref<1x80x128xi32, #tpu.memory_space<hbm>> -> memref<80x128xi32, #tpu.memory_space<hbm>>
      %dma_wait3A_57 = arith.constant 0 : i32
      %dma_wait3A_58 = arith.constant 0 : i32
      %dma_wait3A_59 = tpu.memref_slice %arg3[%add3A, %dma_wait3A_57, %dma_wait3A_58] : memref<32x80x128xi32, #tpu.memory_space<hbm>> -> memref<1x80x128xi32, #tpu.memory_space<hbm>>
      %dma_wait3A_60 = tpu.memref_squeeze %dma_wait3A_59 : memref<1x80x128xi32, #tpu.memory_space<hbm>> -> memref<80x128xi32, #tpu.memory_space<hbm>>
      tpu.wait_dma2 semaphore(%run_scoped3A : memref<!tpu.dma_semaphore, #tpu.memory_space<semaphore_mem>>) src(%dma_wait3A_60 : memref<80x128xi32, #tpu.memory_space<hbm>>) dst(%arg7 : memref<80x128xi32, #tpu.memory_space<vmem>>)
      tpu.yield
    }) : () -> ()
    %mul3A_1 = arith.constant 640 : i32
    %mul3A_2 = arith.muli %arg1, %mul3A_1 : i32
    "tpu.region"() ({
      %run_scoped3A = tpu.sem_alloc : memref<!tpu.dma_semaphore, #tpu.memory_space<semaphore_mem>>
      %dma_start3A_46 = arith.constant 0 : i32
      %dma_start3A_47 = tpu.memref_slice %arg10[%mul3A_2, %dma_start3A_46] : memref<10240x128xf32, #tpu.memory_space<vmem_shared>> -> memref<640x128xf32, #tpu.memory_space<vmem_shared>>
      tpu.enqueue_dma source(%arg5 : memref<640x128xf32, #tpu.memory_space<hbm>>) target(%dma_start3A_47 : memref<640x128xf32, #tpu.memory_space<vmem_shared>>) target_semaphore(%run_scoped3A : memref<!tpu.dma_semaphore, #tpu.memory_space<semaphore_mem>>)
      %dma_wait3A = arith.constant 0 : i32
      %dma_wait3A_48 = tpu.memref_slice %arg10[%mul3A_2, %dma_wait3A] : memref<10240x128xf32, #tpu.memory_space<vmem_shared>> -> memref<640x128xf32, #tpu.memory_space<vmem_shared>>
      tpu.wait_dma2 semaphore(%run_scoped3A : memref<!tpu.dma_semaphore, #tpu.memory_space<semaphore_mem>>) src(%arg5 : memref<640x128xf32, #tpu.memory_space<hbm>>) dst(%dma_wait3A_48 : memref<640x128xf32, #tpu.memory_space<vmem_shared>>)
      tpu.yield
    }) : () -> ()
    %barrier3A = arith.constant 0 : index
    tpu.barrier barrier_id(%barrier3A)
    %dma_start3A = arith.constant 0 : i32
    %dma_start3A_3 = arith.constant 0 : i32
    %dma_start3A_4 = arith.constant 0 : i32
    %dma_start3A_5 = arith.constant 0 : i32
    %dma_start3A_6 = arith.constant 0 : i32
    %dma_start3A_7 = tpu.memref_slice %arg9[%dma_start3A_3, %dma_start3A_5, %dma_start3A_6] : memref<2x128x128xf32, #tpu.memory_space<vmem>> -> memref<1x128x128xf32, #tpu.memory_space<vmem>>
    %dma_start3A_8 = tpu.memref_squeeze %dma_start3A_7 : memref<1x128x128xf32, #tpu.memory_space<vmem>> -> memref<128x128xf32, #tpu.memory_space<vmem>>
    %dma_start3A_9 = arith.constant 0 : i32
    %dma_start3A_10 = tpu.memref_slice %arg7[%dma_start3A, %dma_start3A_9] : memref<80x128xi32, #tpu.memory_space<vmem>> -> memref<1x128xi32, #tpu.memory_space<vmem>>
    %dma_start3A_11 = tpu.memref_squeeze %dma_start3A_10 : memref<1x128xi32, #tpu.memory_space<vmem>> -> memref<128xi32, #tpu.memory_space<vmem>>
    %dma_start3A_12 = arith.constant 0 : i32
    %dma_start3A_13 = arith.constant 0 : i32
    %dma_start3A_14 = tpu.memref_slice %arg2[%dma_start3A_12, %dma_start3A_13] : memref<10240x128xf32, #tpu.memory_space<hbm>> -> memref<10240x128xf32, #tpu.memory_space<hbm>>
    %dma_start3A_15 = tpu.memref_slice %arg11[%dma_start3A_4] : memref<2x!tpu.dma_semaphore, #tpu.memory_space<semaphore_mem>> -> memref<1x!tpu.dma_semaphore, #tpu.memory_space<semaphore_mem>>
    %dma_start3A_16 = tpu.memref_squeeze %dma_start3A_15 : memref<1x!tpu.dma_semaphore, #tpu.memory_space<semaphore_mem>> -> memref<!tpu.dma_semaphore, #tpu.memory_space<semaphore_mem>>
    tpu.enqueue_indirect_dma source(%dma_start3A_14 : memref<10240x128xf32, #tpu.memory_space<hbm>>) target(%dma_start3A_8 : memref<128x128xf32, #tpu.memory_space<vmem>>) offsets(%dma_start3A_11 : memref<128xi32, #tpu.memory_space<vmem>>) semaphore(%dma_start3A_16 : memref<!tpu.dma_semaphore, #tpu.memory_space<semaphore_mem>>)
    %dma_start3A_17 = arith.constant 1 : i32
    %dma_start3A_18 = arith.constant 1 : i32
    %dma_start3A_19 = arith.constant 1 : i32
    %dma_start3A_20 = arith.constant 0 : i32
    %dma_start3A_21 = arith.constant 0 : i32
    %dma_start3A_22 = tpu.memref_slice %arg9[%dma_start3A_18, %dma_start3A_20, %dma_start3A_21] : memref<2x128x128xf32, #tpu.memory_space<vmem>> -> memref<1x128x128xf32, #tpu.memory_space<vmem>>
    %dma_start3A_23 = tpu.memref_squeeze %dma_start3A_22 : memref<1x128x128xf32, #tpu.memory_space<vmem>> -> memref<128x128xf32, #tpu.memory_space<vmem>>
    %dma_start3A_24 = arith.constant 0 : i32
    %dma_start3A_25 = tpu.memref_slice %arg7[%dma_start3A_17, %dma_start3A_24] : memref<80x128xi32, #tpu.memory_space<vmem>> -> memref<1x128xi32, #tpu.memory_space<vmem>>
    %dma_start3A_26 = tpu.memref_squeeze %dma_start3A_25 : memref<1x128xi32, #tpu.memory_space<vmem>> -> memref<128xi32, #tpu.memory_space<vmem>>
    %dma_start3A_27 = arith.constant 0 : i32
    %dma_start3A_28 = arith.constant 0 : i32
    %dma_start3A_29 = tpu.memref_slice %arg2[%dma_start3A_27, %dma_start3A_28] : memref<10240x128xf32, #tpu.memory_space<hbm>> -> memref<10240x128xf32, #tpu.memory_space<hbm>>
    %dma_start3A_30 = tpu.memref_slice %arg11[%dma_start3A_19] : memref<2x!tpu.dma_semaphore, #tpu.memory_space<semaphore_mem>> -> memref<1x!tpu.dma_semaphore, #tpu.memory_space<semaphore_mem>>
    %dma_start3A_31 = tpu.memref_squeeze %dma_start3A_30 : memref<1x!tpu.dma_semaphore, #tpu.memory_space<semaphore_mem>> -> memref<!tpu.dma_semaphore, #tpu.memory_space<semaphore_mem>>
    tpu.enqueue_indirect_dma source(%dma_start3A_29 : memref<10240x128xf32, #tpu.memory_space<hbm>>) target(%dma_start3A_23 : memref<128x128xf32, #tpu.memory_space<vmem>>) offsets(%dma_start3A_26 : memref<128xi32, #tpu.memory_space<vmem>>) semaphore(%dma_start3A_31 : memref<!tpu.dma_semaphore, #tpu.memory_space<semaphore_mem>>)
    "tpu.region"() ({
      %run_scoped3A = tpu.sem_alloc : memref<!tpu.dma_semaphore, #tpu.memory_space<semaphore_mem>>
      %dma_start3A_46 = arith.constant 0 : i32
      %dma_start3A_47 = arith.constant 0 : i32
      %dma_start3A_48 = tpu.memref_slice %arg4[%add3A, %dma_start3A_46, %dma_start3A_47] : memref<32x80x128xi32, #tpu.memory_space<hbm>> -> memref<1x40x128xi32, #tpu.memory_space<hbm>>
      %dma_start3A_49 = tpu.memref_squeeze %dma_start3A_48 : memref<1x40x128xi32, #tpu.memory_space<hbm>> -> memref<40x128xi32, #tpu.memory_space<hbm>>
      %dma_start3A_50 = arith.constant 0 : i32
      %dma_start3A_51 = arith.constant 0 : i32
      %dma_start3A_52 = tpu.memref_slice %arg4[%add3A, %dma_start3A_50, %dma_start3A_51] : memref<32x80x128xi32, #tpu.memory_space<hbm>> -> memref<1x40x128xi32, #tpu.memory_space<hbm>>
      %dma_start3A_53 = tpu.memref_squeeze %dma_start3A_52 : memref<1x40x128xi32, #tpu.memory_space<hbm>> -> memref<40x128xi32, #tpu.memory_space<hbm>>
      tpu.enqueue_dma source(%dma_start3A_53 : memref<40x128xi32, #tpu.memory_space<hbm>>) target(%arg8 : memref<40x128xi32, #tpu.memory_space<vmem>>) target_semaphore(%run_scoped3A : memref<!tpu.dma_semaphore, #tpu.memory_space<semaphore_mem>>)
      %dma_wait3A = arith.constant 0 : i32
      %dma_wait3A_54 = arith.constant 0 : i32
      %dma_wait3A_55 = tpu.memref_slice %arg4[%add3A, %dma_wait3A, %dma_wait3A_54] : memref<32x80x128xi32, #tpu.memory_space<hbm>> -> memref<1x40x128xi32, #tpu.memory_space<hbm>>
      %dma_wait3A_56 = tpu.memref_squeeze %dma_wait3A_55 : memref<1x40x128xi32, #tpu.memory_space<hbm>> -> memref<40x128xi32, #tpu.memory_space<hbm>>
      %dma_wait3A_57 = arith.constant 0 : i32
      %dma_wait3A_58 = arith.constant 0 : i32
      %dma_wait3A_59 = tpu.memref_slice %arg4[%add3A, %dma_wait3A_57, %dma_wait3A_58] : memref<32x80x128xi32, #tpu.memory_space<hbm>> -> memref<1x40x128xi32, #tpu.memory_space<hbm>>
      %dma_wait3A_60 = tpu.memref_squeeze %dma_wait3A_59 : memref<1x40x128xi32, #tpu.memory_space<hbm>> -> memref<40x128xi32, #tpu.memory_space<hbm>>
      tpu.wait_dma2 semaphore(%run_scoped3A : memref<!tpu.dma_semaphore, #tpu.memory_space<semaphore_mem>>) src(%dma_wait3A_60 : memref<40x128xi32, #tpu.memory_space<hbm>>) dst(%arg8 : memref<40x128xi32, #tpu.memory_space<vmem>>)
      tpu.yield
    }) : () -> ()
    %scan3A = arith.constant 0 : i32
    %scan3A_32 = arith.constant 20 : i32
    %scan3A_33 = arith.addi %scan3A, %scan3A_32 : i32
    %scan3A_34 = arith.constant 1 : i32
    scf.for %scan3A_46 = %scan3A to %scan3A_33 step %scan3A_34  : i32 {
      %mul3A_47 = arith.constant 2 : i32
      %mul3A_48 = arith.muli %scan3A_46, %mul3A_47 : i32
      %add3A_49 = arith.constant 0 : i32
      %add3A_50 = arith.addi %add3A_49, %mul3A_48 : i32
      %add3A_51 = arith.constant 0 : i32
      %add3A_52 = arith.addi %add3A_50, %add3A_51 : i32
      %dma_wait3A = arith.constant 0 : i32
      %dma_wait3A_53 = arith.constant 0 : i32
      %dma_wait3A_54 = arith.constant 0 : i32
      %dma_wait3A_55 = arith.constant 0 : i32
      %dma_wait3A_56 = arith.constant 0 : i32
      %dma_wait3A_57 = tpu.memref_slice %arg9[%dma_wait3A_53, %dma_wait3A_55, %dma_wait3A_56] : memref<2x128x128xf32, #tpu.memory_space<vmem>> -> memref<1x128x128xf32, #tpu.memory_space<vmem>>
      %dma_wait3A_58 = tpu.memref_squeeze %dma_wait3A_57 : memref<1x128x128xf32, #tpu.memory_space<vmem>> -> memref<128x128xf32, #tpu.memory_space<vmem>>
      %dma_wait3A_59 = arith.constant 0 : i32
      %dma_wait3A_60 = tpu.memref_slice %arg7[%dma_wait3A, %dma_wait3A_59] : memref<80x128xi32, #tpu.memory_space<vmem>> -> memref<1x128xi32, #tpu.memory_space<vmem>>
      %dma_wait3A_61 = tpu.memref_squeeze %dma_wait3A_60 : memref<1x128xi32, #tpu.memory_space<vmem>> -> memref<128xi32, #tpu.memory_space<vmem>>
      %dma_wait3A_62 = arith.constant 0 : i32
      %dma_wait3A_63 = arith.constant 0 : i32
      %dma_wait3A_64 = tpu.memref_slice %arg2[%dma_wait3A_62, %dma_wait3A_63] : memref<10240x128xf32, #tpu.memory_space<hbm>> -> memref<10240x128xf32, #tpu.memory_space<hbm>>
      %dma_wait3A_65 = tpu.memref_slice %arg11[%dma_wait3A_54] : memref<2x!tpu.dma_semaphore, #tpu.memory_space<semaphore_mem>> -> memref<1x!tpu.dma_semaphore, #tpu.memory_space<semaphore_mem>>
      %dma_wait3A_66 = tpu.memref_squeeze %dma_wait3A_65 : memref<1x!tpu.dma_semaphore, #tpu.memory_space<semaphore_mem>> -> memref<!tpu.dma_semaphore, #tpu.memory_space<semaphore_mem>>
      tpu.wait_indirect_dma semaphore(%dma_wait3A_66 : memref<!tpu.dma_semaphore, #tpu.memory_space<semaphore_mem>>) src(%dma_wait3A_64 : memref<10240x128xf32, #tpu.memory_space<hbm>>) dst(%dma_wait3A_58 : memref<128x128xf32, #tpu.memory_space<vmem>>)
      %sub3A = arith.constant 0 : i32
      %sub3A_67 = arith.subi %add3A_52, %sub3A : i32
      %dma_start3A_68 = arith.constant 0 : i32
      %dma_start3A_69 = arith.constant 0 : i32
      %dma_start3A_70 = arith.constant 0 : i32
      %dma_start3A_71 = arith.constant 0 : i32
      %dma_start3A_72 = tpu.memref_slice %arg9[%dma_start3A_68, %dma_start3A_70, %dma_start3A_71] : memref<2x128x128xf32, #tpu.memory_space<vmem>> -> memref<1x128x128xf32, #tpu.memory_space<vmem>>
      %dma_start3A_73 = tpu.memref_squeeze %dma_start3A_72 : memref<1x128x128xf32, #tpu.memory_space<vmem>> -> memref<128x128xf32, #tpu.memory_space<vmem>>
      %dma_start3A_74 = arith.constant 0 : i32
      %dma_start3A_75 = tpu.memref_slice %arg8[%sub3A_67, %dma_start3A_74] : memref<40x128xi32, #tpu.memory_space<vmem>> -> memref<1x128xi32, #tpu.memory_space<vmem>>
      %dma_start3A_76 = tpu.memref_squeeze %dma_start3A_75 : memref<1x128xi32, #tpu.memory_space<vmem>> -> memref<128xi32, #tpu.memory_space<vmem>>
      %dma_start3A_77 = arith.constant 0 : i32
      %dma_start3A_78 = arith.constant 0 : i32
      %dma_start3A_79 = tpu.memref_slice %arg10[%dma_start3A_77, %dma_start3A_78] : memref<10240x128xf32, #tpu.memory_space<vmem_shared>> -> memref<10240x128xf32, #tpu.memory_space<vmem_shared>>
      %dma_start3A_80 = tpu.memref_slice %arg12[%dma_start3A_69] : memref<2x!tpu.dma_semaphore, #tpu.memory_space<semaphore_mem>> -> memref<1x!tpu.dma_semaphore, #tpu.memory_space<semaphore_mem>>
      %dma_start3A_81 = tpu.memref_squeeze %dma_start3A_80 : memref<1x!tpu.dma_semaphore, #tpu.memory_space<semaphore_mem>> -> memref<!tpu.dma_semaphore, #tpu.memory_space<semaphore_mem>>
      tpu.enqueue_indirect_dma source(%dma_start3A_73 : memref<128x128xf32, #tpu.memory_space<vmem>>) target(%dma_start3A_79 : memref<10240x128xf32, #tpu.memory_space<vmem_shared>>) offsets(%dma_start3A_76 : memref<128xi32, #tpu.memory_space<vmem>>) semaphore(%dma_start3A_81 : memref<!tpu.dma_semaphore, #tpu.memory_space<semaphore_mem>>) {add = true}
      %add3A_82 = arith.constant 1 : i32
      %add3A_83 = arith.addi %add3A_50, %add3A_82 : i32
      %dma_wait3A_84 = arith.constant 1 : i32
      %dma_wait3A_85 = arith.constant 1 : i32
      %dma_wait3A_86 = arith.constant 1 : i32
      %dma_wait3A_87 = arith.constant 0 : i32
      %dma_wait3A_88 = arith.constant 0 : i32
      %dma_wait3A_89 = tpu.memref_slice %arg9[%dma_wait3A_85, %dma_wait3A_87, %dma_wait3A_88] : memref<2x128x128xf32, #tpu.memory_space<vmem>> -> memref<1x128x128xf32, #tpu.memory_space<vmem>>
      %dma_wait3A_90 = tpu.memref_squeeze %dma_wait3A_89 : memref<1x128x128xf32, #tpu.memory_space<vmem>> -> memref<128x128xf32, #tpu.memory_space<vmem>>
      %dma_wait3A_91 = arith.constant 0 : i32
      %dma_wait3A_92 = tpu.memref_slice %arg7[%dma_wait3A_84, %dma_wait3A_91] : memref<80x128xi32, #tpu.memory_space<vmem>> -> memref<1x128xi32, #tpu.memory_space<vmem>>
      %dma_wait3A_93 = tpu.memref_squeeze %dma_wait3A_92 : memref<1x128xi32, #tpu.memory_space<vmem>> -> memref<128xi32, #tpu.memory_space<vmem>>
      %dma_wait3A_94 = arith.constant 0 : i32
      %dma_wait3A_95 = arith.constant 0 : i32
      %dma_wait3A_96 = tpu.memref_slice %arg2[%dma_wait3A_94, %dma_wait3A_95] : memref<10240x128xf32, #tpu.memory_space<hbm>> -> memref<10240x128xf32, #tpu.memory_space<hbm>>
      %dma_wait3A_97 = tpu.memref_slice %arg11[%dma_wait3A_86] : memref<2x!tpu.dma_semaphore, #tpu.memory_space<semaphore_mem>> -> memref<1x!tpu.dma_semaphore, #tpu.memory_space<semaphore_mem>>
      %dma_wait3A_98 = tpu.memref_squeeze %dma_wait3A_97 : memref<1x!tpu.dma_semaphore, #tpu.memory_space<semaphore_mem>> -> memref<!tpu.dma_semaphore, #tpu.memory_space<semaphore_mem>>
      tpu.wait_indirect_dma semaphore(%dma_wait3A_98 : memref<!tpu.dma_semaphore, #tpu.memory_space<semaphore_mem>>) src(%dma_wait3A_96 : memref<10240x128xf32, #tpu.memory_space<hbm>>) dst(%dma_wait3A_90 : memref<128x128xf32, #tpu.memory_space<vmem>>)
      %sub3A_99 = arith.constant 0 : i32
      %sub3A_100 = arith.subi %add3A_83, %sub3A_99 : i32
      %dma_start3A_101 = arith.constant 1 : i32
      %dma_start3A_102 = arith.constant 1 : i32
      %dma_start3A_103 = arith.constant 0 : i32
      %dma_start3A_104 = arith.constant 0 : i32
      %dma_start3A_105 = tpu.memref_slice %arg9[%dma_start3A_101, %dma_start3A_103, %dma_start3A_104] : memref<2x128x128xf32, #tpu.memory_space<vmem>> -> memref<1x128x128xf32, #tpu.memory_space<vmem>>
      %dma_start3A_106 = tpu.memref_squeeze %dma_start3A_105 : memref<1x128x128xf32, #tpu.memory_space<vmem>> -> memref<128x128xf32, #tpu.memory_space<vmem>>
      %dma_start3A_107 = arith.constant 0 : i32
      %dma_start3A_108 = tpu.memref_slice %arg8[%sub3A_100, %dma_start3A_107] : memref<40x128xi32, #tpu.memory_space<vmem>> -> memref<1x128xi32, #tpu.memory_space<vmem>>
      %dma_start3A_109 = tpu.memref_squeeze %dma_start3A_108 : memref<1x128xi32, #tpu.memory_space<vmem>> -> memref<128xi32, #tpu.memory_space<vmem>>
      %dma_start3A_110 = arith.constant 0 : i32
      %dma_start3A_111 = arith.constant 0 : i32
      %dma_start3A_112 = tpu.memref_slice %arg10[%dma_start3A_110, %dma_start3A_111] : memref<10240x128xf32, #tpu.memory_space<vmem_shared>> -> memref<10240x128xf32, #tpu.memory_space<vmem_shared>>
      %dma_start3A_113 = tpu.memref_slice %arg12[%dma_start3A_102] : memref<2x!tpu.dma_semaphore, #tpu.memory_space<semaphore_mem>> -> memref<1x!tpu.dma_semaphore, #tpu.memory_space<semaphore_mem>>
      %dma_start3A_114 = tpu.memref_squeeze %dma_start3A_113 : memref<1x!tpu.dma_semaphore, #tpu.memory_space<semaphore_mem>> -> memref<!tpu.dma_semaphore, #tpu.memory_space<semaphore_mem>>
      tpu.enqueue_indirect_dma source(%dma_start3A_106 : memref<128x128xf32, #tpu.memory_space<vmem>>) target(%dma_start3A_112 : memref<10240x128xf32, #tpu.memory_space<vmem_shared>>) offsets(%dma_start3A_109 : memref<128xi32, #tpu.memory_space<vmem>>) semaphore(%dma_start3A_114 : memref<!tpu.dma_semaphore, #tpu.memory_space<semaphore_mem>>) {add = true}
      %add3A_115 = arith.constant 0 : i32
      %add3A_116 = arith.addi %add3A_50, %add3A_115 : i32
      %add3A_117 = arith.constant 2 : i32
      %add3A_118 = arith.addi %add3A_116, %add3A_117 : i32
      %dma_wait3A_119 = arith.constant 0 : i32
      %dma_wait3A_120 = arith.constant 0 : i32
      %dma_wait3A_121 = arith.constant 0 : i32
      %dma_wait3A_122 = arith.constant 0 : i32
      %dma_wait3A_123 = arith.constant 0 : i32
      %dma_wait3A_124 = tpu.memref_slice %arg9[%dma_wait3A_119, %dma_wait3A_122, %dma_wait3A_123] : memref<2x128x128xf32, #tpu.memory_space<vmem>> -> memref<1x128x128xf32, #tpu.memory_space<vmem>>
      %dma_wait3A_125 = tpu.memref_squeeze %dma_wait3A_124 : memref<1x128x128xf32, #tpu.memory_space<vmem>> -> memref<128x128xf32, #tpu.memory_space<vmem>>
      %dma_wait3A_126 = arith.constant 0 : i32
      %dma_wait3A_127 = tpu.memref_slice %arg8[%dma_wait3A_120, %dma_wait3A_126] : memref<40x128xi32, #tpu.memory_space<vmem>> -> memref<1x128xi32, #tpu.memory_space<vmem>>
      %dma_wait3A_128 = tpu.memref_squeeze %dma_wait3A_127 : memref<1x128xi32, #tpu.memory_space<vmem>> -> memref<128xi32, #tpu.memory_space<vmem>>
      %dma_wait3A_129 = arith.constant 0 : i32
      %dma_wait3A_130 = arith.constant 0 : i32
      %dma_wait3A_131 = tpu.memref_slice %arg10[%dma_wait3A_129, %dma_wait3A_130] : memref<10240x128xf32, #tpu.memory_space<vmem_shared>> -> memref<10240x128xf32, #tpu.memory_space<vmem_shared>>
      %dma_wait3A_132 = tpu.memref_slice %arg12[%dma_wait3A_121] : memref<2x!tpu.dma_semaphore, #tpu.memory_space<semaphore_mem>> -> memref<1x!tpu.dma_semaphore, #tpu.memory_space<semaphore_mem>>
      %dma_wait3A_133 = tpu.memref_squeeze %dma_wait3A_132 : memref<1x!tpu.dma_semaphore, #tpu.memory_space<semaphore_mem>> -> memref<!tpu.dma_semaphore, #tpu.memory_space<semaphore_mem>>
      tpu.wait_indirect_dma semaphore(%dma_wait3A_133 : memref<!tpu.dma_semaphore, #tpu.memory_space<semaphore_mem>>) src(%dma_wait3A_125 : memref<128x128xf32, #tpu.memory_space<vmem>>) dst(%dma_wait3A_131 : memref<10240x128xf32, #tpu.memory_space<vmem_shared>>)
      %lt3A = arith.constant 80 : i32
      %lt3A_134 = arith.cmpi slt, %add3A_118, %lt3A : i32
      %convert_element_type3A = arith.extui %lt3A_134 : i1 to i32
      %cond3A = arith.constant 0 : i32
      %cond3A_135 = arith.cmpi ne, %convert_element_type3A, %cond3A : i32
      scf.if %cond3A_135 {
        %dma_start3A_160 = arith.constant 0 : i32
        %dma_start3A_161 = arith.constant 0 : i32
        %dma_start3A_162 = arith.constant 0 : i32
        %dma_start3A_163 = arith.constant 0 : i32
        %dma_start3A_164 = tpu.memref_slice %arg9[%dma_start3A_160, %dma_start3A_162, %dma_start3A_163] : memref<2x128x128xf32, #tpu.memory_space<vmem>> -> memref<1x128x128xf32, #tpu.memory_space<vmem>>
        %dma_start3A_165 = tpu.memref_squeeze %dma_start3A_164 : memref<1x128x128xf32, #tpu.memory_space<vmem>> -> memref<128x128xf32, #tpu.memory_space<vmem>>
        %dma_start3A_166 = arith.constant 0 : i32
        %dma_start3A_167 = tpu.memref_slice %arg7[%add3A_118, %dma_start3A_166] : memref<80x128xi32, #tpu.memory_space<vmem>> -> memref<1x128xi32, #tpu.memory_space<vmem>>
        %dma_start3A_168 = tpu.memref_squeeze %dma_start3A_167 : memref<1x128xi32, #tpu.memory_space<vmem>> -> memref<128xi32, #tpu.memory_space<vmem>>
        %dma_start3A_169 = arith.constant 0 : i32
        %dma_start3A_170 = arith.constant 0 : i32
        %dma_start3A_171 = tpu.memref_slice %arg2[%dma_start3A_169, %dma_start3A_170] : memref<10240x128xf32, #tpu.memory_space<hbm>> -> memref<10240x128xf32, #tpu.memory_space<hbm>>
        %dma_start3A_172 = tpu.memref_slice %arg11[%dma_start3A_161] : memref<2x!tpu.dma_semaphore, #tpu.memory_space<semaphore_mem>> -> memref<1x!tpu.dma_semaphore, #tpu.memory_space<semaphore_mem>>
        %dma_start3A_173 = tpu.memref_squeeze %dma_start3A_172 : memref<1x!tpu.dma_semaphore, #tpu.memory_space<semaphore_mem>> -> memref<!tpu.dma_semaphore, #tpu.memory_space<semaphore_mem>>
        tpu.enqueue_indirect_dma source(%dma_start3A_171 : memref<10240x128xf32, #tpu.memory_space<hbm>>) target(%dma_start3A_165 : memref<128x128xf32, #tpu.memory_space<vmem>>) offsets(%dma_start3A_168 : memref<128xi32, #tpu.memory_space<vmem>>) semaphore(%dma_start3A_173 : memref<!tpu.dma_semaphore, #tpu.memory_space<semaphore_mem>>)
      } else {
      }
      %add3A_136 = arith.constant 1 : i32
      %add3A_137 = arith.addi %add3A_50, %add3A_136 : i32
      %add3A_138 = arith.constant 2 : i32
      %add3A_139 = arith.addi %add3A_137, %add3A_138 : i32
      %dma_wait3A_140 = arith.constant 1 : i32
      %dma_wait3A_141 = arith.constant 1 : i32
      %dma_wait3A_142 = arith.constant 1 : i32
      %dma_wait3A_143 = arith.constant 0 : i32
      %dma_wait3A_144 = arith.constant 0 : i32
      %dma_wait3A_145 = tpu.memref_slice %arg9[%dma_wait3A_140, %dma_wait3A_143, %dma_wait3A_144] : memref<2x128x128xf32, #tpu.memory_space<vmem>> -> memref<1x128x128xf32, #tpu.memory_space<vmem>>
      %dma_wait3A_146 = tpu.memref_squeeze %dma_wait3A_145 : memref<1x128x128xf32, #tpu.memory_space<vmem>> -> memref<128x128xf32, #tpu.memory_space<vmem>>
      %dma_wait3A_147 = arith.constant 0 : i32
      %dma_wait3A_148 = tpu.memref_slice %arg8[%dma_wait3A_141, %dma_wait3A_147] : memref<40x128xi32, #tpu.memory_space<vmem>> -> memref<1x128xi32, #tpu.memory_space<vmem>>
      %dma_wait3A_149 = tpu.memref_squeeze %dma_wait3A_148 : memref<1x128xi32, #tpu.memory_space<vmem>> -> memref<128xi32, #tpu.memory_space<vmem>>
      %dma_wait3A_150 = arith.constant 0 : i32
      %dma_wait3A_151 = arith.constant 0 : i32
      %dma_wait3A_152 = tpu.memref_slice %arg10[%dma_wait3A_150, %dma_wait3A_151] : memref<10240x128xf32, #tpu.memory_space<vmem_shared>> -> memref<10240x128xf32, #tpu.memory_space<vmem_shared>>
      %dma_wait3A_153 = tpu.memref_slice %arg12[%dma_wait3A_142] : memref<2x!tpu.dma_semaphore, #tpu.memory_space<semaphore_mem>> -> memref<1x!tpu.dma_semaphore, #tpu.memory_space<semaphore_mem>>
      %dma_wait3A_154 = tpu.memref_squeeze %dma_wait3A_153 : memref<1x!tpu.dma_semaphore, #tpu.memory_space<semaphore_mem>> -> memref<!tpu.dma_semaphore, #tpu.memory_space<semaphore_mem>>
      tpu.wait_indirect_dma semaphore(%dma_wait3A_154 : memref<!tpu.dma_semaphore, #tpu.memory_space<semaphore_mem>>) src(%dma_wait3A_146 : memref<128x128xf32, #tpu.memory_space<vmem>>) dst(%dma_wait3A_152 : memref<10240x128xf32, #tpu.memory_space<vmem_shared>>)
      %lt3A_155 = arith.constant 80 : i32
      %lt3A_156 = arith.cmpi slt, %add3A_139, %lt3A_155 : i32
      %convert_element_type3A_157 = arith.extui %lt3A_156 : i1 to i32
      %cond3A_158 = arith.constant 0 : i32
      %cond3A_159 = arith.cmpi ne, %convert_element_type3A_157, %cond3A_158 : i32
      scf.if %cond3A_159 {
        %dma_start3A_160 = arith.constant 1 : i32
        %dma_start3A_161 = arith.constant 1 : i32
        %dma_start3A_162 = arith.constant 0 : i32
        %dma_start3A_163 = arith.constant 0 : i32
        %dma_start3A_164 = tpu.memref_slice %arg9[%dma_start3A_160, %dma_start3A_162, %dma_start3A_163] : memref<2x128x128xf32, #tpu.memory_space<vmem>> -> memref<1x128x128xf32, #tpu.memory_space<vmem>>
        %dma_start3A_165 = tpu.memref_squeeze %dma_start3A_164 : memref<1x128x128xf32, #tpu.memory_space<vmem>> -> memref<128x128xf32, #tpu.memory_space<vmem>>
        %dma_start3A_166 = arith.constant 0 : i32
        %dma_start3A_167 = tpu.memref_slice %arg7[%add3A_139, %dma_start3A_166] : memref<80x128xi32, #tpu.memory_space<vmem>> -> memref<1x128xi32, #tpu.memory_space<vmem>>
        %dma_start3A_168 = tpu.memref_squeeze %dma_start3A_167 : memref<1x128xi32, #tpu.memory_space<vmem>> -> memref<128xi32, #tpu.memory_space<vmem>>
        %dma_start3A_169 = arith.constant 0 : i32
        %dma_start3A_170 = arith.constant 0 : i32
        %dma_start3A_171 = tpu.memref_slice %arg2[%dma_start3A_169, %dma_start3A_170] : memref<10240x128xf32, #tpu.memory_space<hbm>> -> memref<10240x128xf32, #tpu.memory_space<hbm>>
        %dma_start3A_172 = tpu.memref_slice %arg11[%dma_start3A_161] : memref<2x!tpu.dma_semaphore, #tpu.memory_space<semaphore_mem>> -> memref<1x!tpu.dma_semaphore, #tpu.memory_space<semaphore_mem>>
        %dma_start3A_173 = tpu.memref_squeeze %dma_start3A_172 : memref<1x!tpu.dma_semaphore, #tpu.memory_space<semaphore_mem>> -> memref<!tpu.dma_semaphore, #tpu.memory_space<semaphore_mem>>
        tpu.enqueue_indirect_dma source(%dma_start3A_171 : memref<10240x128xf32, #tpu.memory_space<hbm>>) target(%dma_start3A_165 : memref<128x128xf32, #tpu.memory_space<vmem>>) offsets(%dma_start3A_168 : memref<128xi32, #tpu.memory_space<vmem>>) semaphore(%dma_start3A_173 : memref<!tpu.dma_semaphore, #tpu.memory_space<semaphore_mem>>)
      } else {
      }
    }
    %scan3A_35 = arith.constant 20 : i32
    "tpu.region"() ({
      %run_scoped3A = tpu.sem_alloc : memref<!tpu.dma_semaphore, #tpu.memory_space<semaphore_mem>>
      %dma_start3A_46 = arith.constant 40 : i32
      %dma_start3A_47 = arith.constant 0 : i32
      %dma_start3A_48 = tpu.memref_slice %arg4[%add3A, %dma_start3A_46, %dma_start3A_47] : memref<32x80x128xi32, #tpu.memory_space<hbm>> -> memref<1x40x128xi32, #tpu.memory_space<hbm>>
      %dma_start3A_49 = tpu.memref_squeeze %dma_start3A_48 : memref<1x40x128xi32, #tpu.memory_space<hbm>> -> memref<40x128xi32, #tpu.memory_space<hbm>>
      %dma_start3A_50 = arith.constant 40 : i32
      %dma_start3A_51 = arith.constant 0 : i32
      %dma_start3A_52 = tpu.memref_slice %arg4[%add3A, %dma_start3A_50, %dma_start3A_51] : memref<32x80x128xi32, #tpu.memory_space<hbm>> -> memref<1x40x128xi32, #tpu.memory_space<hbm>>
      %dma_start3A_53 = tpu.memref_squeeze %dma_start3A_52 : memref<1x40x128xi32, #tpu.memory_space<hbm>> -> memref<40x128xi32, #tpu.memory_space<hbm>>
      tpu.enqueue_dma source(%dma_start3A_53 : memref<40x128xi32, #tpu.memory_space<hbm>>) target(%arg8 : memref<40x128xi32, #tpu.memory_space<vmem>>) target_semaphore(%run_scoped3A : memref<!tpu.dma_semaphore, #tpu.memory_space<semaphore_mem>>)
      %dma_wait3A = arith.constant 40 : i32
      %dma_wait3A_54 = arith.constant 0 : i32
      %dma_wait3A_55 = tpu.memref_slice %arg4[%add3A, %dma_wait3A, %dma_wait3A_54] : memref<32x80x128xi32, #tpu.memory_space<hbm>> -> memref<1x40x128xi32, #tpu.memory_space<hbm>>
      %dma_wait3A_56 = tpu.memref_squeeze %dma_wait3A_55 : memref<1x40x128xi32, #tpu.memory_space<hbm>> -> memref<40x128xi32, #tpu.memory_space<hbm>>
      %dma_wait3A_57 = arith.constant 40 : i32
      %dma_wait3A_58 = arith.constant 0 : i32
      %dma_wait3A_59 = tpu.memref_slice %arg4[%add3A, %dma_wait3A_57, %dma_wait3A_58] : memref<32x80x128xi32, #tpu.memory_space<hbm>> -> memref<1x40x128xi32, #tpu.memory_space<hbm>>
      %dma_wait3A_60 = tpu.memref_squeeze %dma_wait3A_59 : memref<1x40x128xi32, #tpu.memory_space<hbm>> -> memref<40x128xi32, #tpu.memory_space<hbm>>
      tpu.wait_dma2 semaphore(%run_scoped3A : memref<!tpu.dma_semaphore, #tpu.memory_space<semaphore_mem>>) src(%dma_wait3A_60 : memref<40x128xi32, #tpu.memory_space<hbm>>) dst(%arg8 : memref<40x128xi32, #tpu.memory_space<vmem>>)
      tpu.yield
    }) : () -> ()
    %scan3A_36 = arith.constant 0 : i32
    %scan3A_37 = arith.constant 20 : i32
    %scan3A_38 = arith.addi %scan3A_36, %scan3A_37 : i32
    %scan3A_39 = arith.constant 1 : i32
    scf.for %scan3A_46 = %scan3A_36 to %scan3A_38 step %scan3A_39  : i32 {
      %mul3A_47 = arith.constant 2 : i32
      %mul3A_48 = arith.muli %scan3A_46, %mul3A_47 : i32
      %add3A_49 = arith.constant 40 : i32
      %add3A_50 = arith.addi %add3A_49, %mul3A_48 : i32
      %add3A_51 = arith.constant 0 : i32
      %add3A_52 = arith.addi %add3A_50, %add3A_51 : i32
      %dma_wait3A = arith.constant 0 : i32
      %dma_wait3A_53 = arith.constant 0 : i32
      %dma_wait3A_54 = arith.constant 0 : i32
      %dma_wait3A_55 = arith.constant 0 : i32
      %dma_wait3A_56 = arith.constant 0 : i32
      %dma_wait3A_57 = tpu.memref_slice %arg9[%dma_wait3A_53, %dma_wait3A_55, %dma_wait3A_56] : memref<2x128x128xf32, #tpu.memory_space<vmem>> -> memref<1x128x128xf32, #tpu.memory_space<vmem>>
      %dma_wait3A_58 = tpu.memref_squeeze %dma_wait3A_57 : memref<1x128x128xf32, #tpu.memory_space<vmem>> -> memref<128x128xf32, #tpu.memory_space<vmem>>
      %dma_wait3A_59 = arith.constant 0 : i32
      %dma_wait3A_60 = tpu.memref_slice %arg7[%dma_wait3A, %dma_wait3A_59] : memref<80x128xi32, #tpu.memory_space<vmem>> -> memref<1x128xi32, #tpu.memory_space<vmem>>
      %dma_wait3A_61 = tpu.memref_squeeze %dma_wait3A_60 : memref<1x128xi32, #tpu.memory_space<vmem>> -> memref<128xi32, #tpu.memory_space<vmem>>
      %dma_wait3A_62 = arith.constant 0 : i32
      %dma_wait3A_63 = arith.constant 0 : i32
      %dma_wait3A_64 = tpu.memref_slice %arg2[%dma_wait3A_62, %dma_wait3A_63] : memref<10240x128xf32, #tpu.memory_space<hbm>> -> memref<10240x128xf32, #tpu.memory_space<hbm>>
      %dma_wait3A_65 = tpu.memref_slice %arg11[%dma_wait3A_54] : memref<2x!tpu.dma_semaphore, #tpu.memory_space<semaphore_mem>> -> memref<1x!tpu.dma_semaphore, #tpu.memory_space<semaphore_mem>>
      %dma_wait3A_66 = tpu.memref_squeeze %dma_wait3A_65 : memref<1x!tpu.dma_semaphore, #tpu.memory_space<semaphore_mem>> -> memref<!tpu.dma_semaphore, #tpu.memory_space<semaphore_mem>>
      tpu.wait_indirect_dma semaphore(%dma_wait3A_66 : memref<!tpu.dma_semaphore, #tpu.memory_space<semaphore_mem>>) src(%dma_wait3A_64 : memref<10240x128xf32, #tpu.memory_space<hbm>>) dst(%dma_wait3A_58 : memref<128x128xf32, #tpu.memory_space<vmem>>)
      %sub3A = arith.constant 40 : i32
      %sub3A_67 = arith.subi %add3A_52, %sub3A : i32
      %dma_start3A_68 = arith.constant 0 : i32
      %dma_start3A_69 = arith.constant 0 : i32
      %dma_start3A_70 = arith.constant 0 : i32
      %dma_start3A_71 = arith.constant 0 : i32
      %dma_start3A_72 = tpu.memref_slice %arg9[%dma_start3A_68, %dma_start3A_70, %dma_start3A_71] : memref<2x128x128xf32, #tpu.memory_space<vmem>> -> memref<1x128x128xf32, #tpu.memory_space<vmem>>
      %dma_start3A_73 = tpu.memref_squeeze %dma_start3A_72 : memref<1x128x128xf32, #tpu.memory_space<vmem>> -> memref<128x128xf32, #tpu.memory_space<vmem>>
      %dma_start3A_74 = arith.constant 0 : i32
      %dma_start3A_75 = tpu.memref_slice %arg8[%sub3A_67, %dma_start3A_74] : memref<40x128xi32, #tpu.memory_space<vmem>> -> memref<1x128xi32, #tpu.memory_space<vmem>>
      %dma_start3A_76 = tpu.memref_squeeze %dma_start3A_75 : memref<1x128xi32, #tpu.memory_space<vmem>> -> memref<128xi32, #tpu.memory_space<vmem>>
      %dma_start3A_77 = arith.constant 0 : i32
      %dma_start3A_78 = arith.constant 0 : i32
      %dma_start3A_79 = tpu.memref_slice %arg10[%dma_start3A_77, %dma_start3A_78] : memref<10240x128xf32, #tpu.memory_space<vmem_shared>> -> memref<10240x128xf32, #tpu.memory_space<vmem_shared>>
      %dma_start3A_80 = tpu.memref_slice %arg12[%dma_start3A_69] : memref<2x!tpu.dma_semaphore, #tpu.memory_space<semaphore_mem>> -> memref<1x!tpu.dma_semaphore, #tpu.memory_space<semaphore_mem>>
      %dma_start3A_81 = tpu.memref_squeeze %dma_start3A_80 : memref<1x!tpu.dma_semaphore, #tpu.memory_space<semaphore_mem>> -> memref<!tpu.dma_semaphore, #tpu.memory_space<semaphore_mem>>
      tpu.enqueue_indirect_dma source(%dma_start3A_73 : memref<128x128xf32, #tpu.memory_space<vmem>>) target(%dma_start3A_79 : memref<10240x128xf32, #tpu.memory_space<vmem_shared>>) offsets(%dma_start3A_76 : memref<128xi32, #tpu.memory_space<vmem>>) semaphore(%dma_start3A_81 : memref<!tpu.dma_semaphore, #tpu.memory_space<semaphore_mem>>) {add = true}
      %add3A_82 = arith.constant 1 : i32
      %add3A_83 = arith.addi %add3A_50, %add3A_82 : i32
      %dma_wait3A_84 = arith.constant 1 : i32
      %dma_wait3A_85 = arith.constant 1 : i32
      %dma_wait3A_86 = arith.constant 1 : i32
      %dma_wait3A_87 = arith.constant 0 : i32
      %dma_wait3A_88 = arith.constant 0 : i32
      %dma_wait3A_89 = tpu.memref_slice %arg9[%dma_wait3A_85, %dma_wait3A_87, %dma_wait3A_88] : memref<2x128x128xf32, #tpu.memory_space<vmem>> -> memref<1x128x128xf32, #tpu.memory_space<vmem>>
      %dma_wait3A_90 = tpu.memref_squeeze %dma_wait3A_89 : memref<1x128x128xf32, #tpu.memory_space<vmem>> -> memref<128x128xf32, #tpu.memory_space<vmem>>
      %dma_wait3A_91 = arith.constant 0 : i32
      %dma_wait3A_92 = tpu.memref_slice %arg7[%dma_wait3A_84, %dma_wait3A_91] : memref<80x128xi32, #tpu.memory_space<vmem>> -> memref<1x128xi32, #tpu.memory_space<vmem>>
      %dma_wait3A_93 = tpu.memref_squeeze %dma_wait3A_92 : memref<1x128xi32, #tpu.memory_space<vmem>> -> memref<128xi32, #tpu.memory_space<vmem>>
      %dma_wait3A_94 = arith.constant 0 : i32
      %dma_wait3A_95 = arith.constant 0 : i32
      %dma_wait3A_96 = tpu.memref_slice %arg2[%dma_wait3A_94, %dma_wait3A_95] : memref<10240x128xf32, #tpu.memory_space<hbm>> -> memref<10240x128xf32, #tpu.memory_space<hbm>>
      %dma_wait3A_97 = tpu.memref_slice %arg11[%dma_wait3A_86] : memref<2x!tpu.dma_semaphore, #tpu.memory_space<semaphore_mem>> -> memref<1x!tpu.dma_semaphore, #tpu.memory_space<semaphore_mem>>
      %dma_wait3A_98 = tpu.memref_squeeze %dma_wait3A_97 : memref<1x!tpu.dma_semaphore, #tpu.memory_space<semaphore_mem>> -> memref<!tpu.dma_semaphore, #tpu.memory_space<semaphore_mem>>
      tpu.wait_indirect_dma semaphore(%dma_wait3A_98 : memref<!tpu.dma_semaphore, #tpu.memory_space<semaphore_mem>>) src(%dma_wait3A_96 : memref<10240x128xf32, #tpu.memory_space<hbm>>) dst(%dma_wait3A_90 : memref<128x128xf32, #tpu.memory_space<vmem>>)
      %sub3A_99 = arith.constant 40 : i32
      %sub3A_100 = arith.subi %add3A_83, %sub3A_99 : i32
      %dma_start3A_101 = arith.constant 1 : i32
      %dma_start3A_102 = arith.constant 1 : i32
      %dma_start3A_103 = arith.constant 0 : i32
      %dma_start3A_104 = arith.constant 0 : i32
      %dma_start3A_105 = tpu.memref_slice %arg9[%dma_start3A_101, %dma_start3A_103, %dma_start3A_104] : memref<2x128x128xf32, #tpu.memory_space<vmem>> -> memref<1x128x128xf32, #tpu.memory_space<vmem>>
      %dma_start3A_106 = tpu.memref_squeeze %dma_start3A_105 : memref<1x128x128xf32, #tpu.memory_space<vmem>> -> memref<128x128xf32, #tpu.memory_space<vmem>>
      %dma_start3A_107 = arith.constant 0 : i32
      %dma_start3A_108 = tpu.memref_slice %arg8[%sub3A_100, %dma_start3A_107] : memref<40x128xi32, #tpu.memory_space<vmem>> -> memref<1x128xi32, #tpu.memory_space<vmem>>
      %dma_start3A_109 = tpu.memref_squeeze %dma_start3A_108 : memref<1x128xi32, #tpu.memory_space<vmem>> -> memref<128xi32, #tpu.memory_space<vmem>>
      %dma_start3A_110 = arith.constant 0 : i32
      %dma_start3A_111 = arith.constant 0 : i32
      %dma_start3A_112 = tpu.memref_slice %arg10[%dma_start3A_110, %dma_start3A_111] : memref<10240x128xf32, #tpu.memory_space<vmem_shared>> -> memref<10240x128xf32, #tpu.memory_space<vmem_shared>>
      %dma_start3A_113 = tpu.memref_slice %arg12[%dma_start3A_102] : memref<2x!tpu.dma_semaphore, #tpu.memory_space<semaphore_mem>> -> memref<1x!tpu.dma_semaphore, #tpu.memory_space<semaphore_mem>>
      %dma_start3A_114 = tpu.memref_squeeze %dma_start3A_113 : memref<1x!tpu.dma_semaphore, #tpu.memory_space<semaphore_mem>> -> memref<!tpu.dma_semaphore, #tpu.memory_space<semaphore_mem>>
      tpu.enqueue_indirect_dma source(%dma_start3A_106 : memref<128x128xf32, #tpu.memory_space<vmem>>) target(%dma_start3A_112 : memref<10240x128xf32, #tpu.memory_space<vmem_shared>>) offsets(%dma_start3A_109 : memref<128xi32, #tpu.memory_space<vmem>>) semaphore(%dma_start3A_114 : memref<!tpu.dma_semaphore, #tpu.memory_space<semaphore_mem>>) {add = true}
      %add3A_115 = arith.constant 0 : i32
      %add3A_116 = arith.addi %add3A_50, %add3A_115 : i32
      %add3A_117 = arith.constant 2 : i32
      %add3A_118 = arith.addi %add3A_116, %add3A_117 : i32
      %dma_wait3A_119 = arith.constant 0 : i32
      %dma_wait3A_120 = arith.constant 0 : i32
      %dma_wait3A_121 = arith.constant 0 : i32
      %dma_wait3A_122 = arith.constant 0 : i32
      %dma_wait3A_123 = arith.constant 0 : i32
      %dma_wait3A_124 = tpu.memref_slice %arg9[%dma_wait3A_119, %dma_wait3A_122, %dma_wait3A_123] : memref<2x128x128xf32, #tpu.memory_space<vmem>> -> memref<1x128x128xf32, #tpu.memory_space<vmem>>
      %dma_wait3A_125 = tpu.memref_squeeze %dma_wait3A_124 : memref<1x128x128xf32, #tpu.memory_space<vmem>> -> memref<128x128xf32, #tpu.memory_space<vmem>>
      %dma_wait3A_126 = arith.constant 0 : i32
      %dma_wait3A_127 = tpu.memref_slice %arg8[%dma_wait3A_120, %dma_wait3A_126] : memref<40x128xi32, #tpu.memory_space<vmem>> -> memref<1x128xi32, #tpu.memory_space<vmem>>
      %dma_wait3A_128 = tpu.memref_squeeze %dma_wait3A_127 : memref<1x128xi32, #tpu.memory_space<vmem>> -> memref<128xi32, #tpu.memory_space<vmem>>
      %dma_wait3A_129 = arith.constant 0 : i32
      %dma_wait3A_130 = arith.constant 0 : i32
      %dma_wait3A_131 = tpu.memref_slice %arg10[%dma_wait3A_129, %dma_wait3A_130] : memref<10240x128xf32, #tpu.memory_space<vmem_shared>> -> memref<10240x128xf32, #tpu.memory_space<vmem_shared>>
      %dma_wait3A_132 = tpu.memref_slice %arg12[%dma_wait3A_121] : memref<2x!tpu.dma_semaphore, #tpu.memory_space<semaphore_mem>> -> memref<1x!tpu.dma_semaphore, #tpu.memory_space<semaphore_mem>>
      %dma_wait3A_133 = tpu.memref_squeeze %dma_wait3A_132 : memref<1x!tpu.dma_semaphore, #tpu.memory_space<semaphore_mem>> -> memref<!tpu.dma_semaphore, #tpu.memory_space<semaphore_mem>>
      tpu.wait_indirect_dma semaphore(%dma_wait3A_133 : memref<!tpu.dma_semaphore, #tpu.memory_space<semaphore_mem>>) src(%dma_wait3A_125 : memref<128x128xf32, #tpu.memory_space<vmem>>) dst(%dma_wait3A_131 : memref<10240x128xf32, #tpu.memory_space<vmem_shared>>)
      %lt3A = arith.constant 80 : i32
      %lt3A_134 = arith.cmpi slt, %add3A_118, %lt3A : i32
      %convert_element_type3A = arith.extui %lt3A_134 : i1 to i32
      %cond3A = arith.constant 0 : i32
      %cond3A_135 = arith.cmpi ne, %convert_element_type3A, %cond3A : i32
      scf.if %cond3A_135 {
        %dma_start3A_160 = arith.constant 0 : i32
        %dma_start3A_161 = arith.constant 0 : i32
        %dma_start3A_162 = arith.constant 0 : i32
        %dma_start3A_163 = arith.constant 0 : i32
        %dma_start3A_164 = tpu.memref_slice %arg9[%dma_start3A_160, %dma_start3A_162, %dma_start3A_163] : memref<2x128x128xf32, #tpu.memory_space<vmem>> -> memref<1x128x128xf32, #tpu.memory_space<vmem>>
        %dma_start3A_165 = tpu.memref_squeeze %dma_start3A_164 : memref<1x128x128xf32, #tpu.memory_space<vmem>> -> memref<128x128xf32, #tpu.memory_space<vmem>>
        %dma_start3A_166 = arith.constant 0 : i32
        %dma_start3A_167 = tpu.memref_slice %arg7[%add3A_118, %dma_start3A_166] : memref<80x128xi32, #tpu.memory_space<vmem>> -> memref<1x128xi32, #tpu.memory_space<vmem>>
        %dma_start3A_168 = tpu.memref_squeeze %dma_start3A_167 : memref<1x128xi32, #tpu.memory_space<vmem>> -> memref<128xi32, #tpu.memory_space<vmem>>
        %dma_start3A_169 = arith.constant 0 : i32
        %dma_start3A_170 = arith.constant 0 : i32
        %dma_start3A_171 = tpu.memref_slice %arg2[%dma_start3A_169, %dma_start3A_170] : memref<10240x128xf32, #tpu.memory_space<hbm>> -> memref<10240x128xf32, #tpu.memory_space<hbm>>
        %dma_start3A_172 = tpu.memref_slice %arg11[%dma_start3A_161] : memref<2x!tpu.dma_semaphore, #tpu.memory_space<semaphore_mem>> -> memref<1x!tpu.dma_semaphore, #tpu.memory_space<semaphore_mem>>
        %dma_start3A_173 = tpu.memref_squeeze %dma_start3A_172 : memref<1x!tpu.dma_semaphore, #tpu.memory_space<semaphore_mem>> -> memref<!tpu.dma_semaphore, #tpu.memory_space<semaphore_mem>>
        tpu.enqueue_indirect_dma source(%dma_start3A_171 : memref<10240x128xf32, #tpu.memory_space<hbm>>) target(%dma_start3A_165 : memref<128x128xf32, #tpu.memory_space<vmem>>) offsets(%dma_start3A_168 : memref<128xi32, #tpu.memory_space<vmem>>) semaphore(%dma_start3A_173 : memref<!tpu.dma_semaphore, #tpu.memory_space<semaphore_mem>>)
      } else {
      }
      %add3A_136 = arith.constant 1 : i32
      %add3A_137 = arith.addi %add3A_50, %add3A_136 : i32
      %add3A_138 = arith.constant 2 : i32
      %add3A_139 = arith.addi %add3A_137, %add3A_138 : i32
      %dma_wait3A_140 = arith.constant 1 : i32
      %dma_wait3A_141 = arith.constant 1 : i32
      %dma_wait3A_142 = arith.constant 1 : i32
      %dma_wait3A_143 = arith.constant 0 : i32
      %dma_wait3A_144 = arith.constant 0 : i32
      %dma_wait3A_145 = tpu.memref_slice %arg9[%dma_wait3A_140, %dma_wait3A_143, %dma_wait3A_144] : memref<2x128x128xf32, #tpu.memory_space<vmem>> -> memref<1x128x128xf32, #tpu.memory_space<vmem>>
      %dma_wait3A_146 = tpu.memref_squeeze %dma_wait3A_145 : memref<1x128x128xf32, #tpu.memory_space<vmem>> -> memref<128x128xf32, #tpu.memory_space<vmem>>
      %dma_wait3A_147 = arith.constant 0 : i32
      %dma_wait3A_148 = tpu.memref_slice %arg8[%dma_wait3A_141, %dma_wait3A_147] : memref<40x128xi32, #tpu.memory_space<vmem>> -> memref<1x128xi32, #tpu.memory_space<vmem>>
      %dma_wait3A_149 = tpu.memref_squeeze %dma_wait3A_148 : memref<1x128xi32, #tpu.memory_space<vmem>> -> memref<128xi32, #tpu.memory_space<vmem>>
      %dma_wait3A_150 = arith.constant 0 : i32
      %dma_wait3A_151 = arith.constant 0 : i32
      %dma_wait3A_152 = tpu.memref_slice %arg10[%dma_wait3A_150, %dma_wait3A_151] : memref<10240x128xf32, #tpu.memory_space<vmem_shared>> -> memref<10240x128xf32, #tpu.memory_space<vmem_shared>>
      %dma_wait3A_153 = tpu.memref_slice %arg12[%dma_wait3A_142] : memref<2x!tpu.dma_semaphore, #tpu.memory_space<semaphore_mem>> -> memref<1x!tpu.dma_semaphore, #tpu.memory_space<semaphore_mem>>
      %dma_wait3A_154 = tpu.memref_squeeze %dma_wait3A_153 : memref<1x!tpu.dma_semaphore, #tpu.memory_space<semaphore_mem>> -> memref<!tpu.dma_semaphore, #tpu.memory_space<semaphore_mem>>
      tpu.wait_indirect_dma semaphore(%dma_wait3A_154 : memref<!tpu.dma_semaphore, #tpu.memory_space<semaphore_mem>>) src(%dma_wait3A_146 : memref<128x128xf32, #tpu.memory_space<vmem>>) dst(%dma_wait3A_152 : memref<10240x128xf32, #tpu.memory_space<vmem_shared>>)
      %lt3A_155 = arith.constant 80 : i32
      %lt3A_156 = arith.cmpi slt, %add3A_139, %lt3A_155 : i32
      %convert_element_type3A_157 = arith.extui %lt3A_156 : i1 to i32
      %cond3A_158 = arith.constant 0 : i32
      %cond3A_159 = arith.cmpi ne, %convert_element_type3A_157, %cond3A_158 : i32
      scf.if %cond3A_159 {
        %dma_start3A_160 = arith.constant 1 : i32
        %dma_start3A_161 = arith.constant 1 : i32
        %dma_start3A_162 = arith.constant 0 : i32
        %dma_start3A_163 = arith.constant 0 : i32
        %dma_start3A_164 = tpu.memref_slice %arg9[%dma_start3A_160, %dma_start3A_162, %dma_start3A_163] : memref<2x128x128xf32, #tpu.memory_space<vmem>> -> memref<1x128x128xf32, #tpu.memory_space<vmem>>
        %dma_start3A_165 = tpu.memref_squeeze %dma_start3A_164 : memref<1x128x128xf32, #tpu.memory_space<vmem>> -> memref<128x128xf32, #tpu.memory_space<vmem>>
        %dma_start3A_166 = arith.constant 0 : i32
        %dma_start3A_167 = tpu.memref_slice %arg7[%add3A_139, %dma_start3A_166] : memref<80x128xi32, #tpu.memory_space<vmem>> -> memref<1x128xi32, #tpu.memory_space<vmem>>
        %dma_start3A_168 = tpu.memref_squeeze %dma_start3A_167 : memref<1x128xi32, #tpu.memory_space<vmem>> -> memref<128xi32, #tpu.memory_space<vmem>>
        %dma_start3A_169 = arith.constant 0 : i32
        %dma_start3A_170 = arith.constant 0 : i32
        %dma_start3A_171 = tpu.memref_slice %arg2[%dma_start3A_169, %dma_start3A_170] : memref<10240x128xf32, #tpu.memory_space<hbm>> -> memref<10240x128xf32, #tpu.memory_space<hbm>>
        %dma_start3A_172 = tpu.memref_slice %arg11[%dma_start3A_161] : memref<2x!tpu.dma_semaphore, #tpu.memory_space<semaphore_mem>> -> memref<1x!tpu.dma_semaphore, #tpu.memory_space<semaphore_mem>>
        %dma_start3A_173 = tpu.memref_squeeze %dma_start3A_172 : memref<1x!tpu.dma_semaphore, #tpu.memory_space<semaphore_mem>> -> memref<!tpu.dma_semaphore, #tpu.memory_space<semaphore_mem>>
        tpu.enqueue_indirect_dma source(%dma_start3A_171 : memref<10240x128xf32, #tpu.memory_space<hbm>>) target(%dma_start3A_165 : memref<128x128xf32, #tpu.memory_space<vmem>>) offsets(%dma_start3A_168 : memref<128xi32, #tpu.memory_space<vmem>>) semaphore(%dma_start3A_173 : memref<!tpu.dma_semaphore, #tpu.memory_space<semaphore_mem>>)
      } else {
      }
    }
    %scan3A_40 = arith.constant 20 : i32
    %barrier3A_41 = arith.constant 0 : index
    tpu.barrier barrier_id(%barrier3A_41)
    %mul3A_42 = arith.constant 640 : i32
    %mul3A_43 = arith.muli %arg1, %mul3A_42 : i32
    %mul3A_44 = arith.constant 640 : i32
    %mul3A_45 = arith.muli %arg1, %mul3A_44 : i32
    "tpu.region"() ({
      %run_scoped3A = tpu.sem_alloc : memref<!tpu.dma_semaphore, #tpu.memory_space<semaphore_mem>>
      %dma_start3A_46 = arith.constant 0 : i32
      %dma_start3A_47 = tpu.memref_slice %arg6[%arg0, %mul3A_45, %dma_start3A_46] : memref<2x10240x128xf32, #tpu.memory_space<hbm>> -> memref<1x640x128xf32, #tpu.memory_space<hbm>>
      %dma_start3A_48 = tpu.memref_squeeze %dma_start3A_47 : memref<1x640x128xf32, #tpu.memory_space<hbm>> -> memref<640x128xf32, #tpu.memory_space<hbm>>
      %dma_start3A_49 = arith.constant 0 : i32
      %dma_start3A_50 = tpu.memref_slice %arg10[%mul3A_43, %dma_start3A_49] : memref<10240x128xf32, #tpu.memory_space<vmem_shared>> -> memref<640x128xf32, #tpu.memory_space<vmem_shared>>
      tpu.enqueue_dma source(%dma_start3A_50 : memref<640x128xf32, #tpu.memory_space<vmem_shared>>) target(%dma_start3A_48 : memref<640x128xf32, #tpu.memory_space<hbm>>) target_semaphore(%run_scoped3A : memref<!tpu.dma_semaphore, #tpu.memory_space<semaphore_mem>>)
      %dma_wait3A = arith.constant 0 : i32
      %dma_wait3A_51 = tpu.memref_slice %arg6[%arg0, %mul3A_45, %dma_wait3A] : memref<2x10240x128xf32, #tpu.memory_space<hbm>> -> memref<1x640x128xf32, #tpu.memory_space<hbm>>
      %dma_wait3A_52 = tpu.memref_squeeze %dma_wait3A_51 : memref<1x640x128xf32, #tpu.memory_space<hbm>> -> memref<640x128xf32, #tpu.memory_space<hbm>>
      %dma_wait3A_53 = arith.constant 0 : i32
      %dma_wait3A_54 = tpu.memref_slice %arg10[%mul3A_43, %dma_wait3A_53] : memref<10240x128xf32, #tpu.memory_space<vmem_shared>> -> memref<640x128xf32, #tpu.memory_space<vmem_shared>>
      tpu.wait_dma2 semaphore(%run_scoped3A : memref<!tpu.dma_semaphore, #tpu.memory_space<semaphore_mem>>) src(%dma_wait3A_54 : memref<640x128xf32, #tpu.memory_space<vmem_shared>>) dst(%dma_wait3A_52 : memref<640x128xf32, #tpu.memory_space<hbm>>)
      tpu.yield
    }) : () -> ()
    return
  }
}

#map = affine_map<(d0, d1) -> (0, 0)>
#map1 = affine_map<(d0, d1) -> (0, 0, 0)>
module attributes {stable_mosaic.version = 14 : i64} {
  func.func @_agg_body(%arg0: i32, %arg1: i32, %arg2: memref<10240x128xf32, #tpu.memory_space<hbm>>, %arg3: memref<32x80x128xi32, #tpu.memory_space<hbm>>, %arg4: memref<32x80x128xi32, #tpu.memory_space<hbm>>, %arg5: memref<640x128xf32, #tpu.memory_space<hbm>>, %arg6: memref<2x10240x128xf32, #tpu.memory_space<hbm>>, %arg7: memref<80x128xi32, #tpu.memory_space<vmem>>, %arg8: memref<40x128xi32, #tpu.memory_space<vmem>>, %arg9: memref<2x128x128xf32, #tpu.memory_space<vmem>>, %arg10: memref<10240x128xf32, #tpu.memory_space<vmem_shared>>, %arg11: memref<2x!tpu.dma_semaphore, #tpu.memory_space<semaphore_mem>>, %arg12: memref<2x!tpu.dma_semaphore, #tpu.memory_space<semaphore_mem>>) attributes {dimension_semantics = [#tpu.dimension_semantics<core_parallel>, #tpu.dimension_semantics<subcore_parallel>], iteration_bounds = array<i64: 2, 16>, scalar_prefetch = 0 : i64, scratch_operands = 6 : i64, tpu.core_type = #tpu.core_type<sc_vector_subcore>, window_params = [{transform_indices = #map}, {transform_indices = #map1}, {transform_indices = #map1}, {transform_indices = #map}, {transform_indices = #map1}]} {
    %mul3A = arith.constant 16 : i32
    %mul3A_0 = arith.muli %arg0, %mul3A : i32
    %add3A = arith.addi %mul3A_0, %arg1 : i32
    "tpu.region"() ({
      %run_scoped3A = tpu.sem_alloc : memref<!tpu.dma_semaphore, #tpu.memory_space<semaphore_mem>>
      %dma_start3A_46 = arith.constant 0 : i32
      %dma_start3A_47 = arith.constant 0 : i32
      %dma_start3A_48 = tpu.memref_slice %arg3[%add3A, %dma_start3A_46, %dma_start3A_47] : memref<32x80x128xi32, #tpu.memory_space<hbm>> -> memref<1x80x128xi32, #tpu.memory_space<hbm>>
      %dma_start3A_49 = tpu.memref_squeeze %dma_start3A_48 : memref<1x80x128xi32, #tpu.memory_space<hbm>> -> memref<80x128xi32, #tpu.memory_space<hbm>>
      %dma_start3A_50 = arith.constant 0 : i32
      %dma_start3A_51 = arith.constant 0 : i32
      %dma_start3A_52 = tpu.memref_slice %arg3[%add3A, %dma_start3A_50, %dma_start3A_51] : memref<32x80x128xi32, #tpu.memory_space<hbm>> -> memref<1x80x128xi32, #tpu.memory_space<hbm>>
      %dma_start3A_53 = tpu.memref_squeeze %dma_start3A_52 : memref<1x80x128xi32, #tpu.memory_space<hbm>> -> memref<80x128xi32, #tpu.memory_space<hbm>>
      tpu.enqueue_dma source(%dma_start3A_53 : memref<80x128xi32, #tpu.memory_space<hbm>>) target(%arg7 : memref<80x128xi32, #tpu.memory_space<vmem>>) target_semaphore(%run_scoped3A : memref<!tpu.dma_semaphore, #tpu.memory_space<semaphore_mem>>)
      %dma_wait3A = arith.constant 0 : i32
      %dma_wait3A_54 = arith.constant 0 : i32
      %dma_wait3A_55 = tpu.memref_slice %arg3[%add3A, %dma_wait3A, %dma_wait3A_54] : memref<32x80x128xi32, #tpu.memory_space<hbm>> -> memref<1x80x128xi32, #tpu.memory_space<hbm>>
      %dma_wait3A_56 = tpu.memref_squeeze %dma_wait3A_55 : memref<1x80x128xi32, #tpu.memory_space<hbm>> -> memref<80x128xi32, #tpu.memory_space<hbm>>
      %dma_wait3A_57 = arith.constant 0 : i32
      %dma_wait3A_58 = arith.constant 0 : i32
      %dma_wait3A_59 = tpu.memref_slice %arg3[%add3A, %dma_wait3A_57, %dma_wait3A_58] : memref<32x80x128xi32, #tpu.memory_space<hbm>> -> memref<1x80x128xi32, #tpu.memory_space<hbm>>
      %dma_wait3A_60 = tpu.memref_squeeze %dma_wait3A_59 : memref<1x80x128xi32, #tpu.memory_space<hbm>> -> memref<80x128xi32, #tpu.memory_space<hbm>>
      tpu.wait_dma2 semaphore(%run_scoped3A : memref<!tpu.dma_semaphore, #tpu.memory_space<semaphore_mem>>) src(%dma_wait3A_60 : memref<80x128xi32, #tpu.memory_space<hbm>>) dst(%arg7 : memref<80x128xi32, #tpu.memory_space<vmem>>)
      tpu.yield
    }) : () -> ()
    %mul3A_1 = arith.constant 640 : i32
    %mul3A_2 = arith.muli %arg1, %mul3A_1 : i32
    "tpu.region"() ({
      %run_scoped3A = tpu.sem_alloc : memref<!tpu.dma_semaphore, #tpu.memory_space<semaphore_mem>>
      %dma_start3A_46 = arith.constant 0 : i32
      %dma_start3A_47 = tpu.memref_slice %arg10[%mul3A_2, %dma_start3A_46] : memref<10240x128xf32, #tpu.memory_space<vmem_shared>> -> memref<640x128xf32, #tpu.memory_space<vmem_shared>>
      tpu.enqueue_dma source(%arg5 : memref<640x128xf32, #tpu.memory_space<hbm>>) target(%dma_start3A_47 : memref<640x128xf32, #tpu.memory_space<vmem_shared>>) target_semaphore(%run_scoped3A : memref<!tpu.dma_semaphore, #tpu.memory_space<semaphore_mem>>)
      %dma_wait3A = arith.constant 0 : i32
      %dma_wait3A_48 = tpu.memref_slice %arg10[%mul3A_2, %dma_wait3A] : memref<10240x128xf32, #tpu.memory_space<vmem_shared>> -> memref<640x128xf32, #tpu.memory_space<vmem_shared>>
      tpu.wait_dma2 semaphore(%run_scoped3A : memref<!tpu.dma_semaphore, #tpu.memory_space<semaphore_mem>>) src(%arg5 : memref<640x128xf32, #tpu.memory_space<hbm>>) dst(%dma_wait3A_48 : memref<640x128xf32, #tpu.memory_space<vmem_shared>>)
      tpu.yield
    }) : () -> ()
    %barrier3A = arith.constant 0 : index
    tpu.barrier barrier_id(%barrier3A)
    %dma_start3A = arith.constant 0 : i32
    %dma_start3A_3 = arith.constant 0 : i32
    %dma_start3A_4 = arith.constant 0 : i32
    %dma_start3A_5 = arith.constant 0 : i32
    %dma_start3A_6 = arith.constant 0 : i32
    %dma_start3A_7 = tpu.memref_slice %arg9[%dma_start3A_3, %dma_start3A_5, %dma_start3A_6] : memref<2x128x128xf32, #tpu.memory_space<vmem>> -> memref<1x128x128xf32, #tpu.memory_space<vmem>>
    %dma_start3A_8 = tpu.memref_squeeze %dma_start3A_7 : memref<1x128x128xf32, #tpu.memory_space<vmem>> -> memref<128x128xf32, #tpu.memory_space<vmem>>
    %dma_start3A_9 = arith.constant 0 : i32
    %dma_start3A_10 = tpu.memref_slice %arg7[%dma_start3A, %dma_start3A_9] : memref<80x128xi32, #tpu.memory_space<vmem>> -> memref<1x128xi32, #tpu.memory_space<vmem>>
    %dma_start3A_11 = tpu.memref_squeeze %dma_start3A_10 : memref<1x128xi32, #tpu.memory_space<vmem>> -> memref<128xi32, #tpu.memory_space<vmem>>
    %dma_start3A_12 = arith.constant 0 : i32
    %dma_start3A_13 = arith.constant 0 : i32
    %dma_start3A_14 = tpu.memref_slice %arg2[%dma_start3A_12, %dma_start3A_13] : memref<10240x128xf32, #tpu.memory_space<hbm>> -> memref<10240x128xf32, #tpu.memory_space<hbm>>
    %dma_start3A_15 = tpu.memref_slice %arg11[%dma_start3A_4] : memref<2x!tpu.dma_semaphore, #tpu.memory_space<semaphore_mem>> -> memref<1x!tpu.dma_semaphore, #tpu.memory_space<semaphore_mem>>
    %dma_start3A_16 = tpu.memref_squeeze %dma_start3A_15 : memref<1x!tpu.dma_semaphore, #tpu.memory_space<semaphore_mem>> -> memref<!tpu.dma_semaphore, #tpu.memory_space<semaphore_mem>>
    tpu.enqueue_indirect_dma source(%dma_start3A_14 : memref<10240x128xf32, #tpu.memory_space<hbm>>) target(%dma_start3A_8 : memref<128x128xf32, #tpu.memory_space<vmem>>) offsets(%dma_start3A_11 : memref<128xi32, #tpu.memory_space<vmem>>) semaphore(%dma_start3A_16 : memref<!tpu.dma_semaphore, #tpu.memory_space<semaphore_mem>>)
    %dma_start3A_17 = arith.constant 1 : i32
    %dma_start3A_18 = arith.constant 1 : i32
    %dma_start3A_19 = arith.constant 1 : i32
    %dma_start3A_20 = arith.constant 0 : i32
    %dma_start3A_21 = arith.constant 0 : i32
    %dma_start3A_22 = tpu.memref_slice %arg9[%dma_start3A_18, %dma_start3A_20, %dma_start3A_21] : memref<2x128x128xf32, #tpu.memory_space<vmem>> -> memref<1x128x128xf32, #tpu.memory_space<vmem>>
    %dma_start3A_23 = tpu.memref_squeeze %dma_start3A_22 : memref<1x128x128xf32, #tpu.memory_space<vmem>> -> memref<128x128xf32, #tpu.memory_space<vmem>>
    %dma_start3A_24 = arith.constant 0 : i32
    %dma_start3A_25 = tpu.memref_slice %arg7[%dma_start3A_17, %dma_start3A_24] : memref<80x128xi32, #tpu.memory_space<vmem>> -> memref<1x128xi32, #tpu.memory_space<vmem>>
    %dma_start3A_26 = tpu.memref_squeeze %dma_start3A_25 : memref<1x128xi32, #tpu.memory_space<vmem>> -> memref<128xi32, #tpu.memory_space<vmem>>
    %dma_start3A_27 = arith.constant 0 : i32
    %dma_start3A_28 = arith.constant 0 : i32
    %dma_start3A_29 = tpu.memref_slice %arg2[%dma_start3A_27, %dma_start3A_28] : memref<10240x128xf32, #tpu.memory_space<hbm>> -> memref<10240x128xf32, #tpu.memory_space<hbm>>
    %dma_start3A_30 = tpu.memref_slice %arg11[%dma_start3A_19] : memref<2x!tpu.dma_semaphore, #tpu.memory_space<semaphore_mem>> -> memref<1x!tpu.dma_semaphore, #tpu.memory_space<semaphore_mem>>
    %dma_start3A_31 = tpu.memref_squeeze %dma_start3A_30 : memref<1x!tpu.dma_semaphore, #tpu.memory_space<semaphore_mem>> -> memref<!tpu.dma_semaphore, #tpu.memory_space<semaphore_mem>>
    tpu.enqueue_indirect_dma source(%dma_start3A_29 : memref<10240x128xf32, #tpu.memory_space<hbm>>) target(%dma_start3A_23 : memref<128x128xf32, #tpu.memory_space<vmem>>) offsets(%dma_start3A_26 : memref<128xi32, #tpu.memory_space<vmem>>) semaphore(%dma_start3A_31 : memref<!tpu.dma_semaphore, #tpu.memory_space<semaphore_mem>>)
    "tpu.region"() ({
      %run_scoped3A = tpu.sem_alloc : memref<!tpu.dma_semaphore, #tpu.memory_space<semaphore_mem>>
      %dma_start3A_46 = arith.constant 0 : i32
      %dma_start3A_47 = arith.constant 0 : i32
      %dma_start3A_48 = tpu.memref_slice %arg4[%add3A, %dma_start3A_46, %dma_start3A_47] : memref<32x80x128xi32, #tpu.memory_space<hbm>> -> memref<1x40x128xi32, #tpu.memory_space<hbm>>
      %dma_start3A_49 = tpu.memref_squeeze %dma_start3A_48 : memref<1x40x128xi32, #tpu.memory_space<hbm>> -> memref<40x128xi32, #tpu.memory_space<hbm>>
      %dma_start3A_50 = arith.constant 0 : i32
      %dma_start3A_51 = arith.constant 0 : i32
      %dma_start3A_52 = tpu.memref_slice %arg4[%add3A, %dma_start3A_50, %dma_start3A_51] : memref<32x80x128xi32, #tpu.memory_space<hbm>> -> memref<1x40x128xi32, #tpu.memory_space<hbm>>
      %dma_start3A_53 = tpu.memref_squeeze %dma_start3A_52 : memref<1x40x128xi32, #tpu.memory_space<hbm>> -> memref<40x128xi32, #tpu.memory_space<hbm>>
      tpu.enqueue_dma source(%dma_start3A_53 : memref<40x128xi32, #tpu.memory_space<hbm>>) target(%arg8 : memref<40x128xi32, #tpu.memory_space<vmem>>) target_semaphore(%run_scoped3A : memref<!tpu.dma_semaphore, #tpu.memory_space<semaphore_mem>>)
      %dma_wait3A = arith.constant 0 : i32
      %dma_wait3A_54 = arith.constant 0 : i32
      %dma_wait3A_55 = tpu.memref_slice %arg4[%add3A, %dma_wait3A, %dma_wait3A_54] : memref<32x80x128xi32, #tpu.memory_space<hbm>> -> memref<1x40x128xi32, #tpu.memory_space<hbm>>
      %dma_wait3A_56 = tpu.memref_squeeze %dma_wait3A_55 : memref<1x40x128xi32, #tpu.memory_space<hbm>> -> memref<40x128xi32, #tpu.memory_space<hbm>>
      %dma_wait3A_57 = arith.constant 0 : i32
      %dma_wait3A_58 = arith.constant 0 : i32
      %dma_wait3A_59 = tpu.memref_slice %arg4[%add3A, %dma_wait3A_57, %dma_wait3A_58] : memref<32x80x128xi32, #tpu.memory_space<hbm>> -> memref<1x40x128xi32, #tpu.memory_space<hbm>>
      %dma_wait3A_60 = tpu.memref_squeeze %dma_wait3A_59 : memref<1x40x128xi32, #tpu.memory_space<hbm>> -> memref<40x128xi32, #tpu.memory_space<hbm>>
      tpu.wait_dma2 semaphore(%run_scoped3A : memref<!tpu.dma_semaphore, #tpu.memory_space<semaphore_mem>>) src(%dma_wait3A_60 : memref<40x128xi32, #tpu.memory_space<hbm>>) dst(%arg8 : memref<40x128xi32, #tpu.memory_space<vmem>>)
      tpu.yield
    }) : () -> ()
    %scan3A = arith.constant 0 : i32
    %scan3A_32 = arith.constant 20 : i32
    %scan3A_33 = arith.addi %scan3A, %scan3A_32 : i32
    %scan3A_34 = arith.constant 1 : i32
    scf.for %scan3A_46 = %scan3A to %scan3A_33 step %scan3A_34  : i32 {
      %mul3A_47 = arith.constant 2 : i32
      %mul3A_48 = arith.muli %scan3A_46, %mul3A_47 : i32
      %add3A_49 = arith.constant 0 : i32
      %add3A_50 = arith.addi %add3A_49, %mul3A_48 : i32
      %add3A_51 = arith.constant 0 : i32
      %add3A_52 = arith.addi %add3A_50, %add3A_51 : i32
      %dma_wait3A = arith.constant 0 : i32
      %dma_wait3A_53 = arith.constant 0 : i32
      %dma_wait3A_54 = arith.constant 0 : i32
      %dma_wait3A_55 = arith.constant 0 : i32
      %dma_wait3A_56 = arith.constant 0 : i32
      %dma_wait3A_57 = tpu.memref_slice %arg9[%dma_wait3A_53, %dma_wait3A_55, %dma_wait3A_56] : memref<2x128x128xf32, #tpu.memory_space<vmem>> -> memref<1x128x128xf32, #tpu.memory_space<vmem>>
      %dma_wait3A_58 = tpu.memref_squeeze %dma_wait3A_57 : memref<1x128x128xf32, #tpu.memory_space<vmem>> -> memref<128x128xf32, #tpu.memory_space<vmem>>
      %dma_wait3A_59 = arith.constant 0 : i32
      %dma_wait3A_60 = tpu.memref_slice %arg7[%dma_wait3A, %dma_wait3A_59] : memref<80x128xi32, #tpu.memory_space<vmem>> -> memref<1x128xi32, #tpu.memory_space<vmem>>
      %dma_wait3A_61 = tpu.memref_squeeze %dma_wait3A_60 : memref<1x128xi32, #tpu.memory_space<vmem>> -> memref<128xi32, #tpu.memory_space<vmem>>
      %dma_wait3A_62 = arith.constant 0 : i32
      %dma_wait3A_63 = arith.constant 0 : i32
      %dma_wait3A_64 = tpu.memref_slice %arg2[%dma_wait3A_62, %dma_wait3A_63] : memref<10240x128xf32, #tpu.memory_space<hbm>> -> memref<10240x128xf32, #tpu.memory_space<hbm>>
      %dma_wait3A_65 = tpu.memref_slice %arg11[%dma_wait3A_54] : memref<2x!tpu.dma_semaphore, #tpu.memory_space<semaphore_mem>> -> memref<1x!tpu.dma_semaphore, #tpu.memory_space<semaphore_mem>>
      %dma_wait3A_66 = tpu.memref_squeeze %dma_wait3A_65 : memref<1x!tpu.dma_semaphore, #tpu.memory_space<semaphore_mem>> -> memref<!tpu.dma_semaphore, #tpu.memory_space<semaphore_mem>>
      tpu.wait_indirect_dma semaphore(%dma_wait3A_66 : memref<!tpu.dma_semaphore, #tpu.memory_space<semaphore_mem>>) src(%dma_wait3A_64 : memref<10240x128xf32, #tpu.memory_space<hbm>>) dst(%dma_wait3A_58 : memref<128x128xf32, #tpu.memory_space<vmem>>)
      %sub3A = arith.constant 0 : i32
      %sub3A_67 = arith.subi %add3A_52, %sub3A : i32
      %dma_start3A_68 = arith.constant 0 : i32
      %dma_start3A_69 = arith.constant 0 : i32
      %dma_start3A_70 = arith.constant 0 : i32
      %dma_start3A_71 = arith.constant 0 : i32
      %dma_start3A_72 = tpu.memref_slice %arg9[%dma_start3A_68, %dma_start3A_70, %dma_start3A_71] : memref<2x128x128xf32, #tpu.memory_space<vmem>> -> memref<1x128x128xf32, #tpu.memory_space<vmem>>
      %dma_start3A_73 = tpu.memref_squeeze %dma_start3A_72 : memref<1x128x128xf32, #tpu.memory_space<vmem>> -> memref<128x128xf32, #tpu.memory_space<vmem>>
      %dma_start3A_74 = arith.constant 0 : i32
      %dma_start3A_75 = tpu.memref_slice %arg8[%sub3A_67, %dma_start3A_74] : memref<40x128xi32, #tpu.memory_space<vmem>> -> memref<1x128xi32, #tpu.memory_space<vmem>>
      %dma_start3A_76 = tpu.memref_squeeze %dma_start3A_75 : memref<1x128xi32, #tpu.memory_space<vmem>> -> memref<128xi32, #tpu.memory_space<vmem>>
      %dma_start3A_77 = arith.constant 0 : i32
      %dma_start3A_78 = arith.constant 0 : i32
      %dma_start3A_79 = tpu.memref_slice %arg10[%dma_start3A_77, %dma_start3A_78] : memref<10240x128xf32, #tpu.memory_space<vmem_shared>> -> memref<10240x128xf32, #tpu.memory_space<vmem_shared>>
      %dma_start3A_80 = tpu.memref_slice %arg12[%dma_start3A_69] : memref<2x!tpu.dma_semaphore, #tpu.memory_space<semaphore_mem>> -> memref<1x!tpu.dma_semaphore, #tpu.memory_space<semaphore_mem>>
      %dma_start3A_81 = tpu.memref_squeeze %dma_start3A_80 : memref<1x!tpu.dma_semaphore, #tpu.memory_space<semaphore_mem>> -> memref<!tpu.dma_semaphore, #tpu.memory_space<semaphore_mem>>
      tpu.enqueue_indirect_dma source(%dma_start3A_73 : memref<128x128xf32, #tpu.memory_space<vmem>>) target(%dma_start3A_79 : memref<10240x128xf32, #tpu.memory_space<vmem_shared>>) offsets(%dma_start3A_76 : memref<128xi32, #tpu.memory_space<vmem>>) semaphore(%dma_start3A_81 : memref<!tpu.dma_semaphore, #tpu.memory_space<semaphore_mem>>) {add = true}
      %add3A_82 = arith.constant 1 : i32
      %add3A_83 = arith.addi %add3A_50, %add3A_82 : i32
      %dma_wait3A_84 = arith.constant 1 : i32
      %dma_wait3A_85 = arith.constant 1 : i32
      %dma_wait3A_86 = arith.constant 1 : i32
      %dma_wait3A_87 = arith.constant 0 : i32
      %dma_wait3A_88 = arith.constant 0 : i32
      %dma_wait3A_89 = tpu.memref_slice %arg9[%dma_wait3A_85, %dma_wait3A_87, %dma_wait3A_88] : memref<2x128x128xf32, #tpu.memory_space<vmem>> -> memref<1x128x128xf32, #tpu.memory_space<vmem>>
      %dma_wait3A_90 = tpu.memref_squeeze %dma_wait3A_89 : memref<1x128x128xf32, #tpu.memory_space<vmem>> -> memref<128x128xf32, #tpu.memory_space<vmem>>
      %dma_wait3A_91 = arith.constant 0 : i32
      %dma_wait3A_92 = tpu.memref_slice %arg7[%dma_wait3A_84, %dma_wait3A_91] : memref<80x128xi32, #tpu.memory_space<vmem>> -> memref<1x128xi32, #tpu.memory_space<vmem>>
      %dma_wait3A_93 = tpu.memref_squeeze %dma_wait3A_92 : memref<1x128xi32, #tpu.memory_space<vmem>> -> memref<128xi32, #tpu.memory_space<vmem>>
      %dma_wait3A_94 = arith.constant 0 : i32
      %dma_wait3A_95 = arith.constant 0 : i32
      %dma_wait3A_96 = tpu.memref_slice %arg2[%dma_wait3A_94, %dma_wait3A_95] : memref<10240x128xf32, #tpu.memory_space<hbm>> -> memref<10240x128xf32, #tpu.memory_space<hbm>>
      %dma_wait3A_97 = tpu.memref_slice %arg11[%dma_wait3A_86] : memref<2x!tpu.dma_semaphore, #tpu.memory_space<semaphore_mem>> -> memref<1x!tpu.dma_semaphore, #tpu.memory_space<semaphore_mem>>
      %dma_wait3A_98 = tpu.memref_squeeze %dma_wait3A_97 : memref<1x!tpu.dma_semaphore, #tpu.memory_space<semaphore_mem>> -> memref<!tpu.dma_semaphore, #tpu.memory_space<semaphore_mem>>
      tpu.wait_indirect_dma semaphore(%dma_wait3A_98 : memref<!tpu.dma_semaphore, #tpu.memory_space<semaphore_mem>>) src(%dma_wait3A_96 : memref<10240x128xf32, #tpu.memory_space<hbm>>) dst(%dma_wait3A_90 : memref<128x128xf32, #tpu.memory_space<vmem>>)
      %sub3A_99 = arith.constant 0 : i32
      %sub3A_100 = arith.subi %add3A_83, %sub3A_99 : i32
      %dma_start3A_101 = arith.constant 1 : i32
      %dma_start3A_102 = arith.constant 1 : i32
      %dma_start3A_103 = arith.constant 0 : i32
      %dma_start3A_104 = arith.constant 0 : i32
      %dma_start3A_105 = tpu.memref_slice %arg9[%dma_start3A_101, %dma_start3A_103, %dma_start3A_104] : memref<2x128x128xf32, #tpu.memory_space<vmem>> -> memref<1x128x128xf32, #tpu.memory_space<vmem>>
      %dma_start3A_106 = tpu.memref_squeeze %dma_start3A_105 : memref<1x128x128xf32, #tpu.memory_space<vmem>> -> memref<128x128xf32, #tpu.memory_space<vmem>>
      %dma_start3A_107 = arith.constant 0 : i32
      %dma_start3A_108 = tpu.memref_slice %arg8[%sub3A_100, %dma_start3A_107] : memref<40x128xi32, #tpu.memory_space<vmem>> -> memref<1x128xi32, #tpu.memory_space<vmem>>
      %dma_start3A_109 = tpu.memref_squeeze %dma_start3A_108 : memref<1x128xi32, #tpu.memory_space<vmem>> -> memref<128xi32, #tpu.memory_space<vmem>>
      %dma_start3A_110 = arith.constant 0 : i32
      %dma_start3A_111 = arith.constant 0 : i32
      %dma_start3A_112 = tpu.memref_slice %arg10[%dma_start3A_110, %dma_start3A_111] : memref<10240x128xf32, #tpu.memory_space<vmem_shared>> -> memref<10240x128xf32, #tpu.memory_space<vmem_shared>>
      %dma_start3A_113 = tpu.memref_slice %arg12[%dma_start3A_102] : memref<2x!tpu.dma_semaphore, #tpu.memory_space<semaphore_mem>> -> memref<1x!tpu.dma_semaphore, #tpu.memory_space<semaphore_mem>>
      %dma_start3A_114 = tpu.memref_squeeze %dma_start3A_113 : memref<1x!tpu.dma_semaphore, #tpu.memory_space<semaphore_mem>> -> memref<!tpu.dma_semaphore, #tpu.memory_space<semaphore_mem>>
      tpu.enqueue_indirect_dma source(%dma_start3A_106 : memref<128x128xf32, #tpu.memory_space<vmem>>) target(%dma_start3A_112 : memref<10240x128xf32, #tpu.memory_space<vmem_shared>>) offsets(%dma_start3A_109 : memref<128xi32, #tpu.memory_space<vmem>>) semaphore(%dma_start3A_114 : memref<!tpu.dma_semaphore, #tpu.memory_space<semaphore_mem>>) {add = true}
      %add3A_115 = arith.constant 0 : i32
      %add3A_116 = arith.addi %add3A_50, %add3A_115 : i32
      %add3A_117 = arith.constant 2 : i32
      %add3A_118 = arith.addi %add3A_116, %add3A_117 : i32
      %dma_wait3A_119 = arith.constant 0 : i32
      %dma_wait3A_120 = arith.constant 0 : i32
      %dma_wait3A_121 = arith.constant 0 : i32
      %dma_wait3A_122 = arith.constant 0 : i32
      %dma_wait3A_123 = arith.constant 0 : i32
      %dma_wait3A_124 = tpu.memref_slice %arg9[%dma_wait3A_119, %dma_wait3A_122, %dma_wait3A_123] : memref<2x128x128xf32, #tpu.memory_space<vmem>> -> memref<1x128x128xf32, #tpu.memory_space<vmem>>
      %dma_wait3A_125 = tpu.memref_squeeze %dma_wait3A_124 : memref<1x128x128xf32, #tpu.memory_space<vmem>> -> memref<128x128xf32, #tpu.memory_space<vmem>>
      %dma_wait3A_126 = arith.constant 0 : i32
      %dma_wait3A_127 = tpu.memref_slice %arg8[%dma_wait3A_120, %dma_wait3A_126] : memref<40x128xi32, #tpu.memory_space<vmem>> -> memref<1x128xi32, #tpu.memory_space<vmem>>
      %dma_wait3A_128 = tpu.memref_squeeze %dma_wait3A_127 : memref<1x128xi32, #tpu.memory_space<vmem>> -> memref<128xi32, #tpu.memory_space<vmem>>
      %dma_wait3A_129 = arith.constant 0 : i32
      %dma_wait3A_130 = arith.constant 0 : i32
      %dma_wait3A_131 = tpu.memref_slice %arg10[%dma_wait3A_129, %dma_wait3A_130] : memref<10240x128xf32, #tpu.memory_space<vmem_shared>> -> memref<10240x128xf32, #tpu.memory_space<vmem_shared>>
      %dma_wait3A_132 = tpu.memref_slice %arg12[%dma_wait3A_121] : memref<2x!tpu.dma_semaphore, #tpu.memory_space<semaphore_mem>> -> memref<1x!tpu.dma_semaphore, #tpu.memory_space<semaphore_mem>>
      %dma_wait3A_133 = tpu.memref_squeeze %dma_wait3A_132 : memref<1x!tpu.dma_semaphore, #tpu.memory_space<semaphore_mem>> -> memref<!tpu.dma_semaphore, #tpu.memory_space<semaphore_mem>>
      tpu.wait_indirect_dma semaphore(%dma_wait3A_133 : memref<!tpu.dma_semaphore, #tpu.memory_space<semaphore_mem>>) src(%dma_wait3A_125 : memref<128x128xf32, #tpu.memory_space<vmem>>) dst(%dma_wait3A_131 : memref<10240x128xf32, #tpu.memory_space<vmem_shared>>)
      %lt3A = arith.constant 80 : i32
      %lt3A_134 = arith.cmpi slt, %add3A_118, %lt3A : i32
      %convert_element_type3A = arith.extui %lt3A_134 : i1 to i32
      %cond3A = arith.constant 0 : i32
      %cond3A_135 = arith.cmpi ne, %convert_element_type3A, %cond3A : i32
      scf.if %cond3A_135 {
        %dma_start3A_160 = arith.constant 0 : i32
        %dma_start3A_161 = arith.constant 0 : i32
        %dma_start3A_162 = arith.constant 0 : i32
        %dma_start3A_163 = arith.constant 0 : i32
        %dma_start3A_164 = tpu.memref_slice %arg9[%dma_start3A_160, %dma_start3A_162, %dma_start3A_163] : memref<2x128x128xf32, #tpu.memory_space<vmem>> -> memref<1x128x128xf32, #tpu.memory_space<vmem>>
        %dma_start3A_165 = tpu.memref_squeeze %dma_start3A_164 : memref<1x128x128xf32, #tpu.memory_space<vmem>> -> memref<128x128xf32, #tpu.memory_space<vmem>>
        %dma_start3A_166 = arith.constant 0 : i32
        %dma_start3A_167 = tpu.memref_slice %arg7[%add3A_118, %dma_start3A_166] : memref<80x128xi32, #tpu.memory_space<vmem>> -> memref<1x128xi32, #tpu.memory_space<vmem>>
        %dma_start3A_168 = tpu.memref_squeeze %dma_start3A_167 : memref<1x128xi32, #tpu.memory_space<vmem>> -> memref<128xi32, #tpu.memory_space<vmem>>
        %dma_start3A_169 = arith.constant 0 : i32
        %dma_start3A_170 = arith.constant 0 : i32
        %dma_start3A_171 = tpu.memref_slice %arg2[%dma_start3A_169, %dma_start3A_170] : memref<10240x128xf32, #tpu.memory_space<hbm>> -> memref<10240x128xf32, #tpu.memory_space<hbm>>
        %dma_start3A_172 = tpu.memref_slice %arg11[%dma_start3A_161] : memref<2x!tpu.dma_semaphore, #tpu.memory_space<semaphore_mem>> -> memref<1x!tpu.dma_semaphore, #tpu.memory_space<semaphore_mem>>
        %dma_start3A_173 = tpu.memref_squeeze %dma_start3A_172 : memref<1x!tpu.dma_semaphore, #tpu.memory_space<semaphore_mem>> -> memref<!tpu.dma_semaphore, #tpu.memory_space<semaphore_mem>>
        tpu.enqueue_indirect_dma source(%dma_start3A_171 : memref<10240x128xf32, #tpu.memory_space<hbm>>) target(%dma_start3A_165 : memref<128x128xf32, #tpu.memory_space<vmem>>) offsets(%dma_start3A_168 : memref<128xi32, #tpu.memory_space<vmem>>) semaphore(%dma_start3A_173 : memref<!tpu.dma_semaphore, #tpu.memory_space<semaphore_mem>>)
      } else {
      }
      %add3A_136 = arith.constant 1 : i32
      %add3A_137 = arith.addi %add3A_50, %add3A_136 : i32
      %add3A_138 = arith.constant 2 : i32
      %add3A_139 = arith.addi %add3A_137, %add3A_138 : i32
      %dma_wait3A_140 = arith.constant 1 : i32
      %dma_wait3A_141 = arith.constant 1 : i32
      %dma_wait3A_142 = arith.constant 1 : i32
      %dma_wait3A_143 = arith.constant 0 : i32
      %dma_wait3A_144 = arith.constant 0 : i32
      %dma_wait3A_145 = tpu.memref_slice %arg9[%dma_wait3A_140, %dma_wait3A_143, %dma_wait3A_144] : memref<2x128x128xf32, #tpu.memory_space<vmem>> -> memref<1x128x128xf32, #tpu.memory_space<vmem>>
      %dma_wait3A_146 = tpu.memref_squeeze %dma_wait3A_145 : memref<1x128x128xf32, #tpu.memory_space<vmem>> -> memref<128x128xf32, #tpu.memory_space<vmem>>
      %dma_wait3A_147 = arith.constant 0 : i32
      %dma_wait3A_148 = tpu.memref_slice %arg8[%dma_wait3A_141, %dma_wait3A_147] : memref<40x128xi32, #tpu.memory_space<vmem>> -> memref<1x128xi32, #tpu.memory_space<vmem>>
      %dma_wait3A_149 = tpu.memref_squeeze %dma_wait3A_148 : memref<1x128xi32, #tpu.memory_space<vmem>> -> memref<128xi32, #tpu.memory_space<vmem>>
      %dma_wait3A_150 = arith.constant 0 : i32
      %dma_wait3A_151 = arith.constant 0 : i32
      %dma_wait3A_152 = tpu.memref_slice %arg10[%dma_wait3A_150, %dma_wait3A_151] : memref<10240x128xf32, #tpu.memory_space<vmem_shared>> -> memref<10240x128xf32, #tpu.memory_space<vmem_shared>>
      %dma_wait3A_153 = tpu.memref_slice %arg12[%dma_wait3A_142] : memref<2x!tpu.dma_semaphore, #tpu.memory_space<semaphore_mem>> -> memref<1x!tpu.dma_semaphore, #tpu.memory_space<semaphore_mem>>
      %dma_wait3A_154 = tpu.memref_squeeze %dma_wait3A_153 : memref<1x!tpu.dma_semaphore, #tpu.memory_space<semaphore_mem>> -> memref<!tpu.dma_semaphore, #tpu.memory_space<semaphore_mem>>
      tpu.wait_indirect_dma semaphore(%dma_wait3A_154 : memref<!tpu.dma_semaphore, #tpu.memory_space<semaphore_mem>>) src(%dma_wait3A_146 : memref<128x128xf32, #tpu.memory_space<vmem>>) dst(%dma_wait3A_152 : memref<10240x128xf32, #tpu.memory_space<vmem_shared>>)
      %lt3A_155 = arith.constant 80 : i32
      %lt3A_156 = arith.cmpi slt, %add3A_139, %lt3A_155 : i32
      %convert_element_type3A_157 = arith.extui %lt3A_156 : i1 to i32
      %cond3A_158 = arith.constant 0 : i32
      %cond3A_159 = arith.cmpi ne, %convert_element_type3A_157, %cond3A_158 : i32
      scf.if %cond3A_159 {
        %dma_start3A_160 = arith.constant 1 : i32
        %dma_start3A_161 = arith.constant 1 : i32
        %dma_start3A_162 = arith.constant 0 : i32
        %dma_start3A_163 = arith.constant 0 : i32
        %dma_start3A_164 = tpu.memref_slice %arg9[%dma_start3A_160, %dma_start3A_162, %dma_start3A_163] : memref<2x128x128xf32, #tpu.memory_space<vmem>> -> memref<1x128x128xf32, #tpu.memory_space<vmem>>
        %dma_start3A_165 = tpu.memref_squeeze %dma_start3A_164 : memref<1x128x128xf32, #tpu.memory_space<vmem>> -> memref<128x128xf32, #tpu.memory_space<vmem>>
        %dma_start3A_166 = arith.constant 0 : i32
        %dma_start3A_167 = tpu.memref_slice %arg7[%add3A_139, %dma_start3A_166] : memref<80x128xi32, #tpu.memory_space<vmem>> -> memref<1x128xi32, #tpu.memory_space<vmem>>
        %dma_start3A_168 = tpu.memref_squeeze %dma_start3A_167 : memref<1x128xi32, #tpu.memory_space<vmem>> -> memref<128xi32, #tpu.memory_space<vmem>>
        %dma_start3A_169 = arith.constant 0 : i32
        %dma_start3A_170 = arith.constant 0 : i32
        %dma_start3A_171 = tpu.memref_slice %arg2[%dma_start3A_169, %dma_start3A_170] : memref<10240x128xf32, #tpu.memory_space<hbm>> -> memref<10240x128xf32, #tpu.memory_space<hbm>>
        %dma_start3A_172 = tpu.memref_slice %arg11[%dma_start3A_161] : memref<2x!tpu.dma_semaphore, #tpu.memory_space<semaphore_mem>> -> memref<1x!tpu.dma_semaphore, #tpu.memory_space<semaphore_mem>>
        %dma_start3A_173 = tpu.memref_squeeze %dma_start3A_172 : memref<1x!tpu.dma_semaphore, #tpu.memory_space<semaphore_mem>> -> memref<!tpu.dma_semaphore, #tpu.memory_space<semaphore_mem>>
        tpu.enqueue_indirect_dma source(%dma_start3A_171 : memref<10240x128xf32, #tpu.memory_space<hbm>>) target(%dma_start3A_165 : memref<128x128xf32, #tpu.memory_space<vmem>>) offsets(%dma_start3A_168 : memref<128xi32, #tpu.memory_space<vmem>>) semaphore(%dma_start3A_173 : memref<!tpu.dma_semaphore, #tpu.memory_space<semaphore_mem>>)
      } else {
      }
    }
    %scan3A_35 = arith.constant 20 : i32
    "tpu.region"() ({
      %run_scoped3A = tpu.sem_alloc : memref<!tpu.dma_semaphore, #tpu.memory_space<semaphore_mem>>
      %dma_start3A_46 = arith.constant 40 : i32
      %dma_start3A_47 = arith.constant 0 : i32
      %dma_start3A_48 = tpu.memref_slice %arg4[%add3A, %dma_start3A_46, %dma_start3A_47] : memref<32x80x128xi32, #tpu.memory_space<hbm>> -> memref<1x40x128xi32, #tpu.memory_space<hbm>>
      %dma_start3A_49 = tpu.memref_squeeze %dma_start3A_48 : memref<1x40x128xi32, #tpu.memory_space<hbm>> -> memref<40x128xi32, #tpu.memory_space<hbm>>
      %dma_start3A_50 = arith.constant 40 : i32
      %dma_start3A_51 = arith.constant 0 : i32
      %dma_start3A_52 = tpu.memref_slice %arg4[%add3A, %dma_start3A_50, %dma_start3A_51] : memref<32x80x128xi32, #tpu.memory_space<hbm>> -> memref<1x40x128xi32, #tpu.memory_space<hbm>>
      %dma_start3A_53 = tpu.memref_squeeze %dma_start3A_52 : memref<1x40x128xi32, #tpu.memory_space<hbm>> -> memref<40x128xi32, #tpu.memory_space<hbm>>
      tpu.enqueue_dma source(%dma_start3A_53 : memref<40x128xi32, #tpu.memory_space<hbm>>) target(%arg8 : memref<40x128xi32, #tpu.memory_space<vmem>>) target_semaphore(%run_scoped3A : memref<!tpu.dma_semaphore, #tpu.memory_space<semaphore_mem>>)
      %dma_wait3A = arith.constant 40 : i32
      %dma_wait3A_54 = arith.constant 0 : i32
      %dma_wait3A_55 = tpu.memref_slice %arg4[%add3A, %dma_wait3A, %dma_wait3A_54] : memref<32x80x128xi32, #tpu.memory_space<hbm>> -> memref<1x40x128xi32, #tpu.memory_space<hbm>>
      %dma_wait3A_56 = tpu.memref_squeeze %dma_wait3A_55 : memref<1x40x128xi32, #tpu.memory_space<hbm>> -> memref<40x128xi32, #tpu.memory_space<hbm>>
      %dma_wait3A_57 = arith.constant 40 : i32
      %dma_wait3A_58 = arith.constant 0 : i32
      %dma_wait3A_59 = tpu.memref_slice %arg4[%add3A, %dma_wait3A_57, %dma_wait3A_58] : memref<32x80x128xi32, #tpu.memory_space<hbm>> -> memref<1x40x128xi32, #tpu.memory_space<hbm>>
      %dma_wait3A_60 = tpu.memref_squeeze %dma_wait3A_59 : memref<1x40x128xi32, #tpu.memory_space<hbm>> -> memref<40x128xi32, #tpu.memory_space<hbm>>
      tpu.wait_dma2 semaphore(%run_scoped3A : memref<!tpu.dma_semaphore, #tpu.memory_space<semaphore_mem>>) src(%dma_wait3A_60 : memref<40x128xi32, #tpu.memory_space<hbm>>) dst(%arg8 : memref<40x128xi32, #tpu.memory_space<vmem>>)
      tpu.yield
    }) : () -> ()
    %scan3A_36 = arith.constant 0 : i32
    %scan3A_37 = arith.constant 20 : i32
    %scan3A_38 = arith.addi %scan3A_36, %scan3A_37 : i32
    %scan3A_39 = arith.constant 1 : i32
    scf.for %scan3A_46 = %scan3A_36 to %scan3A_38 step %scan3A_39  : i32 {
      %mul3A_47 = arith.constant 2 : i32
      %mul3A_48 = arith.muli %scan3A_46, %mul3A_47 : i32
      %add3A_49 = arith.constant 40 : i32
      %add3A_50 = arith.addi %add3A_49, %mul3A_48 : i32
      %add3A_51 = arith.constant 0 : i32
      %add3A_52 = arith.addi %add3A_50, %add3A_51 : i32
      %dma_wait3A = arith.constant 0 : i32
      %dma_wait3A_53 = arith.constant 0 : i32
      %dma_wait3A_54 = arith.constant 0 : i32
      %dma_wait3A_55 = arith.constant 0 : i32
      %dma_wait3A_56 = arith.constant 0 : i32
      %dma_wait3A_57 = tpu.memref_slice %arg9[%dma_wait3A_53, %dma_wait3A_55, %dma_wait3A_56] : memref<2x128x128xf32, #tpu.memory_space<vmem>> -> memref<1x128x128xf32, #tpu.memory_space<vmem>>
      %dma_wait3A_58 = tpu.memref_squeeze %dma_wait3A_57 : memref<1x128x128xf32, #tpu.memory_space<vmem>> -> memref<128x128xf32, #tpu.memory_space<vmem>>
      %dma_wait3A_59 = arith.constant 0 : i32
      %dma_wait3A_60 = tpu.memref_slice %arg7[%dma_wait3A, %dma_wait3A_59] : memref<80x128xi32, #tpu.memory_space<vmem>> -> memref<1x128xi32, #tpu.memory_space<vmem>>
      %dma_wait3A_61 = tpu.memref_squeeze %dma_wait3A_60 : memref<1x128xi32, #tpu.memory_space<vmem>> -> memref<128xi32, #tpu.memory_space<vmem>>
      %dma_wait3A_62 = arith.constant 0 : i32
      %dma_wait3A_63 = arith.constant 0 : i32
      %dma_wait3A_64 = tpu.memref_slice %arg2[%dma_wait3A_62, %dma_wait3A_63] : memref<10240x128xf32, #tpu.memory_space<hbm>> -> memref<10240x128xf32, #tpu.memory_space<hbm>>
      %dma_wait3A_65 = tpu.memref_slice %arg11[%dma_wait3A_54] : memref<2x!tpu.dma_semaphore, #tpu.memory_space<semaphore_mem>> -> memref<1x!tpu.dma_semaphore, #tpu.memory_space<semaphore_mem>>
      %dma_wait3A_66 = tpu.memref_squeeze %dma_wait3A_65 : memref<1x!tpu.dma_semaphore, #tpu.memory_space<semaphore_mem>> -> memref<!tpu.dma_semaphore, #tpu.memory_space<semaphore_mem>>
      tpu.wait_indirect_dma semaphore(%dma_wait3A_66 : memref<!tpu.dma_semaphore, #tpu.memory_space<semaphore_mem>>) src(%dma_wait3A_64 : memref<10240x128xf32, #tpu.memory_space<hbm>>) dst(%dma_wait3A_58 : memref<128x128xf32, #tpu.memory_space<vmem>>)
      %sub3A = arith.constant 40 : i32
      %sub3A_67 = arith.subi %add3A_52, %sub3A : i32
      %dma_start3A_68 = arith.constant 0 : i32
      %dma_start3A_69 = arith.constant 0 : i32
      %dma_start3A_70 = arith.constant 0 : i32
      %dma_start3A_71 = arith.constant 0 : i32
      %dma_start3A_72 = tpu.memref_slice %arg9[%dma_start3A_68, %dma_start3A_70, %dma_start3A_71] : memref<2x128x128xf32, #tpu.memory_space<vmem>> -> memref<1x128x128xf32, #tpu.memory_space<vmem>>
      %dma_start3A_73 = tpu.memref_squeeze %dma_start3A_72 : memref<1x128x128xf32, #tpu.memory_space<vmem>> -> memref<128x128xf32, #tpu.memory_space<vmem>>
      %dma_start3A_74 = arith.constant 0 : i32
      %dma_start3A_75 = tpu.memref_slice %arg8[%sub3A_67, %dma_start3A_74] : memref<40x128xi32, #tpu.memory_space<vmem>> -> memref<1x128xi32, #tpu.memory_space<vmem>>
      %dma_start3A_76 = tpu.memref_squeeze %dma_start3A_75 : memref<1x128xi32, #tpu.memory_space<vmem>> -> memref<128xi32, #tpu.memory_space<vmem>>
      %dma_start3A_77 = arith.constant 0 : i32
      %dma_start3A_78 = arith.constant 0 : i32
      %dma_start3A_79 = tpu.memref_slice %arg10[%dma_start3A_77, %dma_start3A_78] : memref<10240x128xf32, #tpu.memory_space<vmem_shared>> -> memref<10240x128xf32, #tpu.memory_space<vmem_shared>>
      %dma_start3A_80 = tpu.memref_slice %arg12[%dma_start3A_69] : memref<2x!tpu.dma_semaphore, #tpu.memory_space<semaphore_mem>> -> memref<1x!tpu.dma_semaphore, #tpu.memory_space<semaphore_mem>>
      %dma_start3A_81 = tpu.memref_squeeze %dma_start3A_80 : memref<1x!tpu.dma_semaphore, #tpu.memory_space<semaphore_mem>> -> memref<!tpu.dma_semaphore, #tpu.memory_space<semaphore_mem>>
      tpu.enqueue_indirect_dma source(%dma_start3A_73 : memref<128x128xf32, #tpu.memory_space<vmem>>) target(%dma_start3A_79 : memref<10240x128xf32, #tpu.memory_space<vmem_shared>>) offsets(%dma_start3A_76 : memref<128xi32, #tpu.memory_space<vmem>>) semaphore(%dma_start3A_81 : memref<!tpu.dma_semaphore, #tpu.memory_space<semaphore_mem>>) {add = true}
      %add3A_82 = arith.constant 1 : i32
      %add3A_83 = arith.addi %add3A_50, %add3A_82 : i32
      %dma_wait3A_84 = arith.constant 1 : i32
      %dma_wait3A_85 = arith.constant 1 : i32
      %dma_wait3A_86 = arith.constant 1 : i32
      %dma_wait3A_87 = arith.constant 0 : i32
      %dma_wait3A_88 = arith.constant 0 : i32
      %dma_wait3A_89 = tpu.memref_slice %arg9[%dma_wait3A_85, %dma_wait3A_87, %dma_wait3A_88] : memref<2x128x128xf32, #tpu.memory_space<vmem>> -> memref<1x128x128xf32, #tpu.memory_space<vmem>>
      %dma_wait3A_90 = tpu.memref_squeeze %dma_wait3A_89 : memref<1x128x128xf32, #tpu.memory_space<vmem>> -> memref<128x128xf32, #tpu.memory_space<vmem>>
      %dma_wait3A_91 = arith.constant 0 : i32
      %dma_wait3A_92 = tpu.memref_slice %arg7[%dma_wait3A_84, %dma_wait3A_91] : memref<80x128xi32, #tpu.memory_space<vmem>> -> memref<1x128xi32, #tpu.memory_space<vmem>>
      %dma_wait3A_93 = tpu.memref_squeeze %dma_wait3A_92 : memref<1x128xi32, #tpu.memory_space<vmem>> -> memref<128xi32, #tpu.memory_space<vmem>>
      %dma_wait3A_94 = arith.constant 0 : i32
      %dma_wait3A_95 = arith.constant 0 : i32
      %dma_wait3A_96 = tpu.memref_slice %arg2[%dma_wait3A_94, %dma_wait3A_95] : memref<10240x128xf32, #tpu.memory_space<hbm>> -> memref<10240x128xf32, #tpu.memory_space<hbm>>
      %dma_wait3A_97 = tpu.memref_slice %arg11[%dma_wait3A_86] : memref<2x!tpu.dma_semaphore, #tpu.memory_space<semaphore_mem>> -> memref<1x!tpu.dma_semaphore, #tpu.memory_space<semaphore_mem>>
      %dma_wait3A_98 = tpu.memref_squeeze %dma_wait3A_97 : memref<1x!tpu.dma_semaphore, #tpu.memory_space<semaphore_mem>> -> memref<!tpu.dma_semaphore, #tpu.memory_space<semaphore_mem>>
      tpu.wait_indirect_dma semaphore(%dma_wait3A_98 : memref<!tpu.dma_semaphore, #tpu.memory_space<semaphore_mem>>) src(%dma_wait3A_96 : memref<10240x128xf32, #tpu.memory_space<hbm>>) dst(%dma_wait3A_90 : memref<128x128xf32, #tpu.memory_space<vmem>>)
      %sub3A_99 = arith.constant 40 : i32
      %sub3A_100 = arith.subi %add3A_83, %sub3A_99 : i32
      %dma_start3A_101 = arith.constant 1 : i32
      %dma_start3A_102 = arith.constant 1 : i32
      %dma_start3A_103 = arith.constant 0 : i32
      %dma_start3A_104 = arith.constant 0 : i32
      %dma_start3A_105 = tpu.memref_slice %arg9[%dma_start3A_101, %dma_start3A_103, %dma_start3A_104] : memref<2x128x128xf32, #tpu.memory_space<vmem>> -> memref<1x128x128xf32, #tpu.memory_space<vmem>>
      %dma_start3A_106 = tpu.memref_squeeze %dma_start3A_105 : memref<1x128x128xf32, #tpu.memory_space<vmem>> -> memref<128x128xf32, #tpu.memory_space<vmem>>
      %dma_start3A_107 = arith.constant 0 : i32
      %dma_start3A_108 = tpu.memref_slice %arg8[%sub3A_100, %dma_start3A_107] : memref<40x128xi32, #tpu.memory_space<vmem>> -> memref<1x128xi32, #tpu.memory_space<vmem>>
      %dma_start3A_109 = tpu.memref_squeeze %dma_start3A_108 : memref<1x128xi32, #tpu.memory_space<vmem>> -> memref<128xi32, #tpu.memory_space<vmem>>
      %dma_start3A_110 = arith.constant 0 : i32
      %dma_start3A_111 = arith.constant 0 : i32
      %dma_start3A_112 = tpu.memref_slice %arg10[%dma_start3A_110, %dma_start3A_111] : memref<10240x128xf32, #tpu.memory_space<vmem_shared>> -> memref<10240x128xf32, #tpu.memory_space<vmem_shared>>
      %dma_start3A_113 = tpu.memref_slice %arg12[%dma_start3A_102] : memref<2x!tpu.dma_semaphore, #tpu.memory_space<semaphore_mem>> -> memref<1x!tpu.dma_semaphore, #tpu.memory_space<semaphore_mem>>
      %dma_start3A_114 = tpu.memref_squeeze %dma_start3A_113 : memref<1x!tpu.dma_semaphore, #tpu.memory_space<semaphore_mem>> -> memref<!tpu.dma_semaphore, #tpu.memory_space<semaphore_mem>>
      tpu.enqueue_indirect_dma source(%dma_start3A_106 : memref<128x128xf32, #tpu.memory_space<vmem>>) target(%dma_start3A_112 : memref<10240x128xf32, #tpu.memory_space<vmem_shared>>) offsets(%dma_start3A_109 : memref<128xi32, #tpu.memory_space<vmem>>) semaphore(%dma_start3A_114 : memref<!tpu.dma_semaphore, #tpu.memory_space<semaphore_mem>>) {add = true}
      %add3A_115 = arith.constant 0 : i32
      %add3A_116 = arith.addi %add3A_50, %add3A_115 : i32
      %add3A_117 = arith.constant 2 : i32
      %add3A_118 = arith.addi %add3A_116, %add3A_117 : i32
      %dma_wait3A_119 = arith.constant 0 : i32
      %dma_wait3A_120 = arith.constant 0 : i32
      %dma_wait3A_121 = arith.constant 0 : i32
      %dma_wait3A_122 = arith.constant 0 : i32
      %dma_wait3A_123 = arith.constant 0 : i32
      %dma_wait3A_124 = tpu.memref_slice %arg9[%dma_wait3A_119, %dma_wait3A_122, %dma_wait3A_123] : memref<2x128x128xf32, #tpu.memory_space<vmem>> -> memref<1x128x128xf32, #tpu.memory_space<vmem>>
      %dma_wait3A_125 = tpu.memref_squeeze %dma_wait3A_124 : memref<1x128x128xf32, #tpu.memory_space<vmem>> -> memref<128x128xf32, #tpu.memory_space<vmem>>
      %dma_wait3A_126 = arith.constant 0 : i32
      %dma_wait3A_127 = tpu.memref_slice %arg8[%dma_wait3A_120, %dma_wait3A_126] : memref<40x128xi32, #tpu.memory_space<vmem>> -> memref<1x128xi32, #tpu.memory_space<vmem>>
      %dma_wait3A_128 = tpu.memref_squeeze %dma_wait3A_127 : memref<1x128xi32, #tpu.memory_space<vmem>> -> memref<128xi32, #tpu.memory_space<vmem>>
      %dma_wait3A_129 = arith.constant 0 : i32
      %dma_wait3A_130 = arith.constant 0 : i32
      %dma_wait3A_131 = tpu.memref_slice %arg10[%dma_wait3A_129, %dma_wait3A_130] : memref<10240x128xf32, #tpu.memory_space<vmem_shared>> -> memref<10240x128xf32, #tpu.memory_space<vmem_shared>>
      %dma_wait3A_132 = tpu.memref_slice %arg12[%dma_wait3A_121] : memref<2x!tpu.dma_semaphore, #tpu.memory_space<semaphore_mem>> -> memref<1x!tpu.dma_semaphore, #tpu.memory_space<semaphore_mem>>
      %dma_wait3A_133 = tpu.memref_squeeze %dma_wait3A_132 : memref<1x!tpu.dma_semaphore, #tpu.memory_space<semaphore_mem>> -> memref<!tpu.dma_semaphore, #tpu.memory_space<semaphore_mem>>
      tpu.wait_indirect_dma semaphore(%dma_wait3A_133 : memref<!tpu.dma_semaphore, #tpu.memory_space<semaphore_mem>>) src(%dma_wait3A_125 : memref<128x128xf32, #tpu.memory_space<vmem>>) dst(%dma_wait3A_131 : memref<10240x128xf32, #tpu.memory_space<vmem_shared>>)
      %lt3A = arith.constant 80 : i32
      %lt3A_134 = arith.cmpi slt, %add3A_118, %lt3A : i32
      %convert_element_type3A = arith.extui %lt3A_134 : i1 to i32
      %cond3A = arith.constant 0 : i32
      %cond3A_135 = arith.cmpi ne, %convert_element_type3A, %cond3A : i32
      scf.if %cond3A_135 {
        %dma_start3A_160 = arith.constant 0 : i32
        %dma_start3A_161 = arith.constant 0 : i32
        %dma_start3A_162 = arith.constant 0 : i32
        %dma_start3A_163 = arith.constant 0 : i32
        %dma_start3A_164 = tpu.memref_slice %arg9[%dma_start3A_160, %dma_start3A_162, %dma_start3A_163] : memref<2x128x128xf32, #tpu.memory_space<vmem>> -> memref<1x128x128xf32, #tpu.memory_space<vmem>>
        %dma_start3A_165 = tpu.memref_squeeze %dma_start3A_164 : memref<1x128x128xf32, #tpu.memory_space<vmem>> -> memref<128x128xf32, #tpu.memory_space<vmem>>
        %dma_start3A_166 = arith.constant 0 : i32
        %dma_start3A_167 = tpu.memref_slice %arg7[%add3A_118, %dma_start3A_166] : memref<80x128xi32, #tpu.memory_space<vmem>> -> memref<1x128xi32, #tpu.memory_space<vmem>>
        %dma_start3A_168 = tpu.memref_squeeze %dma_start3A_167 : memref<1x128xi32, #tpu.memory_space<vmem>> -> memref<128xi32, #tpu.memory_space<vmem>>
        %dma_start3A_169 = arith.constant 0 : i32
        %dma_start3A_170 = arith.constant 0 : i32
        %dma_start3A_171 = tpu.memref_slice %arg2[%dma_start3A_169, %dma_start3A_170] : memref<10240x128xf32, #tpu.memory_space<hbm>> -> memref<10240x128xf32, #tpu.memory_space<hbm>>
        %dma_start3A_172 = tpu.memref_slice %arg11[%dma_start3A_161] : memref<2x!tpu.dma_semaphore, #tpu.memory_space<semaphore_mem>> -> memref<1x!tpu.dma_semaphore, #tpu.memory_space<semaphore_mem>>
        %dma_start3A_173 = tpu.memref_squeeze %dma_start3A_172 : memref<1x!tpu.dma_semaphore, #tpu.memory_space<semaphore_mem>> -> memref<!tpu.dma_semaphore, #tpu.memory_space<semaphore_mem>>
        tpu.enqueue_indirect_dma source(%dma_start3A_171 : memref<10240x128xf32, #tpu.memory_space<hbm>>) target(%dma_start3A_165 : memref<128x128xf32, #tpu.memory_space<vmem>>) offsets(%dma_start3A_168 : memref<128xi32, #tpu.memory_space<vmem>>) semaphore(%dma_start3A_173 : memref<!tpu.dma_semaphore, #tpu.memory_space<semaphore_mem>>)
      } else {
      }
      %add3A_136 = arith.constant 1 : i32
      %add3A_137 = arith.addi %add3A_50, %add3A_136 : i32
      %add3A_138 = arith.constant 2 : i32
      %add3A_139 = arith.addi %add3A_137, %add3A_138 : i32
      %dma_wait3A_140 = arith.constant 1 : i32
      %dma_wait3A_141 = arith.constant 1 : i32
      %dma_wait3A_142 = arith.constant 1 : i32
      %dma_wait3A_143 = arith.constant 0 : i32
      %dma_wait3A_144 = arith.constant 0 : i32
      %dma_wait3A_145 = tpu.memref_slice %arg9[%dma_wait3A_140, %dma_wait3A_143, %dma_wait3A_144] : memref<2x128x128xf32, #tpu.memory_space<vmem>> -> memref<1x128x128xf32, #tpu.memory_space<vmem>>
      %dma_wait3A_146 = tpu.memref_squeeze %dma_wait3A_145 : memref<1x128x128xf32, #tpu.memory_space<vmem>> -> memref<128x128xf32, #tpu.memory_space<vmem>>
      %dma_wait3A_147 = arith.constant 0 : i32
      %dma_wait3A_148 = tpu.memref_slice %arg8[%dma_wait3A_141, %dma_wait3A_147] : memref<40x128xi32, #tpu.memory_space<vmem>> -> memref<1x128xi32, #tpu.memory_space<vmem>>
      %dma_wait3A_149 = tpu.memref_squeeze %dma_wait3A_148 : memref<1x128xi32, #tpu.memory_space<vmem>> -> memref<128xi32, #tpu.memory_space<vmem>>
      %dma_wait3A_150 = arith.constant 0 : i32
      %dma_wait3A_151 = arith.constant 0 : i32
      %dma_wait3A_152 = tpu.memref_slice %arg10[%dma_wait3A_150, %dma_wait3A_151] : memref<10240x128xf32, #tpu.memory_space<vmem_shared>> -> memref<10240x128xf32, #tpu.memory_space<vmem_shared>>
      %dma_wait3A_153 = tpu.memref_slice %arg12[%dma_wait3A_142] : memref<2x!tpu.dma_semaphore, #tpu.memory_space<semaphore_mem>> -> memref<1x!tpu.dma_semaphore, #tpu.memory_space<semaphore_mem>>
      %dma_wait3A_154 = tpu.memref_squeeze %dma_wait3A_153 : memref<1x!tpu.dma_semaphore, #tpu.memory_space<semaphore_mem>> -> memref<!tpu.dma_semaphore, #tpu.memory_space<semaphore_mem>>
      tpu.wait_indirect_dma semaphore(%dma_wait3A_154 : memref<!tpu.dma_semaphore, #tpu.memory_space<semaphore_mem>>) src(%dma_wait3A_146 : memref<128x128xf32, #tpu.memory_space<vmem>>) dst(%dma_wait3A_152 : memref<10240x128xf32, #tpu.memory_space<vmem_shared>>)
      %lt3A_155 = arith.constant 80 : i32
      %lt3A_156 = arith.cmpi slt, %add3A_139, %lt3A_155 : i32
      %convert_element_type3A_157 = arith.extui %lt3A_156 : i1 to i32
      %cond3A_158 = arith.constant 0 : i32
      %cond3A_159 = arith.cmpi ne, %convert_element_type3A_157, %cond3A_158 : i32
      scf.if %cond3A_159 {
        %dma_start3A_160 = arith.constant 1 : i32
        %dma_start3A_161 = arith.constant 1 : i32
        %dma_start3A_162 = arith.constant 0 : i32
        %dma_start3A_163 = arith.constant 0 : i32
        %dma_start3A_164 = tpu.memref_slice %arg9[%dma_start3A_160, %dma_start3A_162, %dma_start3A_163] : memref<2x128x128xf32, #tpu.memory_space<vmem>> -> memref<1x128x128xf32, #tpu.memory_space<vmem>>
        %dma_start3A_165 = tpu.memref_squeeze %dma_start3A_164 : memref<1x128x128xf32, #tpu.memory_space<vmem>> -> memref<128x128xf32, #tpu.memory_space<vmem>>
        %dma_start3A_166 = arith.constant 0 : i32
        %dma_start3A_167 = tpu.memref_slice %arg7[%add3A_139, %dma_start3A_166] : memref<80x128xi32, #tpu.memory_space<vmem>> -> memref<1x128xi32, #tpu.memory_space<vmem>>
        %dma_start3A_168 = tpu.memref_squeeze %dma_start3A_167 : memref<1x128xi32, #tpu.memory_space<vmem>> -> memref<128xi32, #tpu.memory_space<vmem>>
        %dma_start3A_169 = arith.constant 0 : i32
        %dma_start3A_170 = arith.constant 0 : i32
        %dma_start3A_171 = tpu.memref_slice %arg2[%dma_start3A_169, %dma_start3A_170] : memref<10240x128xf32, #tpu.memory_space<hbm>> -> memref<10240x128xf32, #tpu.memory_space<hbm>>
        %dma_start3A_172 = tpu.memref_slice %arg11[%dma_start3A_161] : memref<2x!tpu.dma_semaphore, #tpu.memory_space<semaphore_mem>> -> memref<1x!tpu.dma_semaphore, #tpu.memory_space<semaphore_mem>>
        %dma_start3A_173 = tpu.memref_squeeze %dma_start3A_172 : memref<1x!tpu.dma_semaphore, #tpu.memory_space<semaphore_mem>> -> memref<!tpu.dma_semaphore, #tpu.memory_space<semaphore_mem>>
        tpu.enqueue_indirect_dma source(%dma_start3A_171 : memref<10240x128xf32, #tpu.memory_space<hbm>>) target(%dma_start3A_165 : memref<128x128xf32, #tpu.memory_space<vmem>>) offsets(%dma_start3A_168 : memref<128xi32, #tpu.memory_space<vmem>>) semaphore(%dma_start3A_173 : memref<!tpu.dma_semaphore, #tpu.memory_space<semaphore_mem>>)
      } else {
      }
    }
    %scan3A_40 = arith.constant 20 : i32
    %barrier3A_41 = arith.constant 0 : index
    tpu.barrier barrier_id(%barrier3A_41)
    %mul3A_42 = arith.constant 640 : i32
    %mul3A_43 = arith.muli %arg1, %mul3A_42 : i32
    %mul3A_44 = arith.constant 640 : i32
    %mul3A_45 = arith.muli %arg1, %mul3A_44 : i32
    "tpu.region"() ({
      %run_scoped3A = tpu.sem_alloc : memref<!tpu.dma_semaphore, #tpu.memory_space<semaphore_mem>>
      %dma_start3A_46 = arith.constant 0 : i32
      %dma_start3A_47 = tpu.memref_slice %arg6[%arg0, %mul3A_45, %dma_start3A_46] : memref<2x10240x128xf32, #tpu.memory_space<hbm>> -> memref<1x640x128xf32, #tpu.memory_space<hbm>>
      %dma_start3A_48 = tpu.memref_squeeze %dma_start3A_47 : memref<1x640x128xf32, #tpu.memory_space<hbm>> -> memref<640x128xf32, #tpu.memory_space<hbm>>
      %dma_start3A_49 = arith.constant 0 : i32
      %dma_start3A_50 = tpu.memref_slice %arg10[%mul3A_43, %dma_start3A_49] : memref<10240x128xf32, #tpu.memory_space<vmem_shared>> -> memref<640x128xf32, #tpu.memory_space<vmem_shared>>
      tpu.enqueue_dma source(%dma_start3A_50 : memref<640x128xf32, #tpu.memory_space<vmem_shared>>) target(%dma_start3A_48 : memref<640x128xf32, #tpu.memory_space<hbm>>) target_semaphore(%run_scoped3A : memref<!tpu.dma_semaphore, #tpu.memory_space<semaphore_mem>>)
      %dma_wait3A = arith.constant 0 : i32
      %dma_wait3A_51 = tpu.memref_slice %arg6[%arg0, %mul3A_45, %dma_wait3A] : memref<2x10240x128xf32, #tpu.memory_space<hbm>> -> memref<1x640x128xf32, #tpu.memory_space<hbm>>
      %dma_wait3A_52 = tpu.memref_squeeze %dma_wait3A_51 : memref<1x640x128xf32, #tpu.memory_space<hbm>> -> memref<640x128xf32, #tpu.memory_space<hbm>>
      %dma_wait3A_53 = arith.constant 0 : i32
      %dma_wait3A_54 = tpu.memref_slice %arg10[%mul3A_43, %dma_wait3A_53] : memref<10240x128xf32, #tpu.memory_space<vmem_shared>> -> memref<640x128xf32, #tpu.memory_space<vmem_shared>>
      tpu.wait_dma2 semaphore(%run_scoped3A : memref<!tpu.dma_semaphore, #tpu.memory_space<semaphore_mem>>) src(%dma_wait3A_54 : memref<640x128xf32, #tpu.memory_space<vmem_shared>>) dst(%dma_wait3A_52 : memref<640x128xf32, #tpu.memory_space<hbm>>)
      tpu.yield
    }) : () -> ()
    return
  }
}

module attributes {stable_mosaic.version = 14 : i64} {
  func.func @_layer1_body(%arg0: i32, %arg1: memref<32x2048xf32, #tpu.memory_space<vmem>>, %arg2: memref<2048x128xf32, #tpu.memory_space<vmem>>, %arg3: memref<128x128xf32, #tpu.memory_space<vmem>>, %arg4: memref<2048x128xf32, #tpu.memory_space<vmem>>, %arg5: memref<2048x1xf32, #tpu.memory_space<vmem>>) attributes {dimension_semantics = [#tpu.dimension_semantics<arbitrary>], iteration_bounds = array<i64: 5>, scalar_prefetch = 0 : i64, scratch_operands = 0 : i64, tpu.core_type = #tpu.core_type<tc>, window_params = [{transform_indices = @transform_0, window_bounds = array<i64: 32, 2048>}, {transform_indices = @transform_1, window_bounds = array<i64: 2048, 128>}, {pipeline_mode = #tpu.pipeline_mode<synchronous>, transform_indices = @transform_2, window_bounds = array<i64: 128, 128>}, {transform_indices = @transform_3, window_bounds = array<i64: 2048, 128>}, {transform_indices = @transform_4, window_bounds = array<i64: 2048, 1>}]} {
    %get3A = arith.constant 0 : index
    %get3A_0 = arith.constant 0 : index
    %get3A_1 = vector.load %arg1[%get3A, %get3A_0] : memref<32x2048xf32, #tpu.memory_space<vmem>>, vector<32x2048xf32>
    %reduce_sum3A = arith.constant dense<0.000000e+00> : vector<2048xf32>
    %reduce_sum3A_2 = vector.multi_reduction <add>, %get3A_1, %reduce_sum3A [0] : vector<32x2048xf32> to vector<2048xf32>
    %broadcast_in_dim3A = vector.shape_cast %reduce_sum3A_2 : vector<2048xf32> to vector<1x2048xf32>
    %add3A = arith.constant 1.000000e+00 : f32
    %add3A_3 = vector.broadcast %add3A : f32 to vector<1x2048xf32>
    %add3A_4 = arith.addf %broadcast_in_dim3A, %add3A_3 : vector<1x2048xf32>
    %rsqrt3A = math.rsqrt %add3A_4 : vector<1x2048xf32>
    %reshape3A = vector.shape_cast %rsqrt3A : vector<1x2048xf32> to vector<2048x1xf32>
    %swap3A = arith.constant 0 : index
    %swap3A_5 = arith.constant 0 : index
    %swap3A_6 = vector.load %arg5[%swap3A, %swap3A_5] : memref<2048x1xf32, #tpu.memory_space<vmem>>, vector<2048x1xf32>
    tpu.vector_store %arg5[%swap3A, %swap3A_5], %reshape3A {strides = array<i32>} : memref<2048x1xf32, #tpu.memory_space<vmem>>, vector<2048x1xf32>,
    %get3A_7 = arith.constant 0 : index
    %get3A_8 = arith.constant 0 : index
    %get3A_9 = vector.load %arg2[%get3A_7, %get3A_8] : memref<2048x128xf32, #tpu.memory_space<vmem>>, vector<2048x128xf32>
    %get3A_10 = arith.constant 0 : index
    %get3A_11 = arith.constant 0 : index
    %get3A_12 = vector.load %arg3[%get3A_10, %get3A_11] : memref<128x128xf32, #tpu.memory_space<vmem>>, vector<128x128xf32>
    %dot_general3A = arith.constant dense<0.000000e+00> : vector<2048x128xf32>
    %dot_general3A_13 = tpu.matmul %get3A_9, %get3A_12, %dot_general3A {dimension_numbers = #tpu.dot_dimension_numbers<[1], [0], [0], [1], [0, 0, 1, 1], [], []>, transpose_lhs_hint = false} : vector<2048x128xf32>, vector<128x128xf32>, vector<2048x128xf32> -> vector<2048x128xf32>
    %mul3A = vector.broadcast %reshape3A : vector<2048x1xf32> to vector<2048x128xf32>
    %mul3A_14 = arith.mulf %dot_general3A_13, %mul3A : vector<2048x128xf32>
    %swap3A_15 = arith.constant 0 : index
    %swap3A_16 = arith.constant 0 : index
    %swap3A_17 = vector.load %arg4[%swap3A_15, %swap3A_16] : memref<2048x128xf32, #tpu.memory_space<vmem>>, vector<2048x128xf32>
    tpu.vector_store %arg4[%swap3A_15, %swap3A_16], %mul3A_14 {strides = array<i32>} : memref<2048x128xf32, #tpu.memory_space<vmem>>, vector<2048x128xf32>,
    return
  }
  func.func @transform_0(%arg0: i32) -> (i32, i32) {
    %c0_i32 = arith.constant 0 : i32
    %c0_i32_0 = arith.constant 0 : i32
    return %c0_i32, %arg0 : i32, i32
  }
  func.func @transform_1(%arg0: i32) -> (i32, i32) {
    %c0_i32 = arith.constant 0 : i32
    %c0_i32_0 = arith.constant 0 : i32
    return %arg0, %c0_i32 : i32, i32
  }
  func.func @transform_2(%arg0: i32) -> (i32, i32) {
    %c0_i32 = arith.constant 0 : i32
    %c0_i32_0 = arith.constant 0 : i32
    %c0_i32_1 = arith.constant 0 : i32
    return %c0_i32, %c0_i32_0 : i32, i32
  }
  func.func @transform_3(%arg0: i32) -> (i32, i32) {
    %c0_i32 = arith.constant 0 : i32
    %c0_i32_0 = arith.constant 0 : i32
    return %arg0, %c0_i32 : i32, i32
  }
  func.func @transform_4(%arg0: i32) -> (i32, i32) {
    %c0_i32 = arith.constant 0 : i32
    %c0_i32_0 = arith.constant 0 : i32
    return %arg0, %c0_i32 : i32, i32
  }
}

module attributes {stable_mosaic.version = 14 : i64} {
  func.func @_layer2_body(%arg0: i32, %arg1: memref<2x2048x128xf32, #tpu.memory_space<vmem>>, %arg2: memref<2048x128xf32, #tpu.memory_space<vmem>>, %arg3: memref<2048x1xf32, #tpu.memory_space<vmem>>, %arg4: memref<128x128xf32, #tpu.memory_space<vmem>>, %arg5: memref<2048x128xf32, #tpu.memory_space<vmem>>) attributes {dimension_semantics = [#tpu.dimension_semantics<arbitrary>], iteration_bounds = array<i64: 5>, scalar_prefetch = 0 : i64, scratch_operands = 0 : i64, tpu.core_type = #tpu.core_type<tc>, window_params = [{transform_indices = @transform_0, window_bounds = array<i64: 2, 2048, 128>}, {transform_indices = @transform_1, window_bounds = array<i64: 2048, 128>}, {transform_indices = @transform_2, window_bounds = array<i64: 2048, 1>}, {pipeline_mode = #tpu.pipeline_mode<synchronous>, transform_indices = @transform_3, window_bounds = array<i64: 128, 128>}, {transform_indices = @transform_4, window_bounds = array<i64: 2048, 128>}]} {
    %get3A = arith.constant 0 : index
    %get3A_0 = arith.constant 0 : index
    %get3A_1 = vector.load %arg3[%get3A, %get3A_0] : memref<2048x1xf32, #tpu.memory_space<vmem>>, vector<2048x1xf32>
    %get3A_2 = arith.constant 0 : index
    %get3A_3 = arith.constant 0 : index
    %get3A_4 = arith.constant 0 : index
    %get3A_5 = vector.load %arg1[%get3A_2, %get3A_3, %get3A_4] : memref<2x2048x128xf32, #tpu.memory_space<vmem>>, vector<1x2048x128xf32>
    %get3A_6 = vector.shape_cast %get3A_5 : vector<1x2048x128xf32> to vector<2048x128xf32>
    %get3A_7 = arith.constant 1 : index
    %get3A_8 = arith.constant 0 : index
    %get3A_9 = arith.constant 0 : index
    %get3A_10 = vector.load %arg1[%get3A_7, %get3A_8, %get3A_9] : memref<2x2048x128xf32, #tpu.memory_space<vmem>>, vector<1x2048x128xf32>
    %get3A_11 = vector.shape_cast %get3A_10 : vector<1x2048x128xf32> to vector<2048x128xf32>
    %add3A = arith.addf %get3A_6, %get3A_11 : vector<2048x128xf32>
    %get3A_12 = arith.constant 0 : index
    %get3A_13 = arith.constant 0 : index
    %get3A_14 = vector.load %arg2[%get3A_12, %get3A_13] : memref<2048x128xf32, #tpu.memory_space<vmem>>, vector<2048x128xf32>
    %add3A_15 = arith.addf %add3A, %get3A_14 : vector<2048x128xf32>
    %mul3A = vector.broadcast %get3A_1 : vector<2048x1xf32> to vector<2048x128xf32>
    %mul3A_16 = arith.mulf %add3A_15, %mul3A : vector<2048x128xf32>
    %max3A = arith.constant 0.000000e+00 : f32
    %max3A_17 = vector.broadcast %max3A : f32 to vector<2048x128xf32>
    %max3A_18 = arith.maximumf %mul3A_16, %max3A_17 : vector<2048x128xf32>
    %get3A_19 = arith.constant 0 : index
    %get3A_20 = arith.constant 0 : index
    %get3A_21 = vector.load %arg4[%get3A_19, %get3A_20] : memref<128x128xf32, #tpu.memory_space<vmem>>, vector<128x128xf32>
    %dot_general3A = arith.constant dense<0.000000e+00> : vector<2048x128xf32>
    %dot_general3A_22 = tpu.matmul %max3A_18, %get3A_21, %dot_general3A {dimension_numbers = #tpu.dot_dimension_numbers<[1], [0], [0], [1], [0, 0, 1, 1], [], []>, transpose_lhs_hint = false} : vector<2048x128xf32>, vector<128x128xf32>, vector<2048x128xf32> -> vector<2048x128xf32>
    %mul3A_23 = vector.broadcast %get3A_1 : vector<2048x1xf32> to vector<2048x128xf32>
    %mul3A_24 = arith.mulf %dot_general3A_22, %mul3A_23 : vector<2048x128xf32>
    %swap3A = arith.constant 0 : index
    %swap3A_25 = arith.constant 0 : index
    %swap3A_26 = vector.load %arg5[%swap3A, %swap3A_25] : memref<2048x128xf32, #tpu.memory_space<vmem>>, vector<2048x128xf32>
    tpu.vector_store %arg5[%swap3A, %swap3A_25], %mul3A_24 {strides = array<i32>} : memref<2048x128xf32, #tpu.memory_space<vmem>>, vector<2048x128xf32>,
    return
  }
  func.func @transform_0(%arg0: i32) -> (i32, i32, i32) {
    %c0_i32 = arith.constant 0 : i32
    %c0_i32_0 = arith.constant 0 : i32
    %c0_i32_1 = arith.constant 0 : i32
    return %c0_i32, %arg0, %c0_i32_0 : i32, i32, i32
  }
  func.func @transform_1(%arg0: i32) -> (i32, i32) {
    %c0_i32 = arith.constant 0 : i32
    %c0_i32_0 = arith.constant 0 : i32
    return %arg0, %c0_i32 : i32, i32
  }
  func.func @transform_2(%arg0: i32) -> (i32, i32) {
    %c0_i32 = arith.constant 0 : i32
    %c0_i32_0 = arith.constant 0 : i32
    return %arg0, %c0_i32 : i32, i32
  }
  func.func @transform_3(%arg0: i32) -> (i32, i32) {
    %c0_i32 = arith.constant 0 : i32
    %c0_i32_0 = arith.constant 0 : i32
    %c0_i32_1 = arith.constant 0 : i32
    return %c0_i32, %c0_i32_0 : i32, i32
  }
  func.func @transform_4(%arg0: i32) -> (i32, i32) {
    %c0_i32 = arith.constant 0 : i32
    %c0_i32_0 = arith.constant 0 : i32
    return %arg0, %c0_i32 : i32, i32
  }
}

module attributes {stable_mosaic.version = 14 : i64} {
  func.func @_final_body(%arg0: i32, %arg1: memref<2x2048x128xf32, #tpu.memory_space<vmem>>, %arg2: memref<2048x128xf32, #tpu.memory_space<vmem>>, %arg3: memref<2048x1xf32, #tpu.memory_space<vmem>>, %arg4: memref<2048x128xf32, #tpu.memory_space<vmem>>) attributes {dimension_semantics = [#tpu.dimension_semantics<arbitrary>], iteration_bounds = array<i64: 5>, scalar_prefetch = 0 : i64, scratch_operands = 0 : i64, tpu.core_type = #tpu.core_type<tc>, window_params = [{transform_indices = @transform_0, window_bounds = array<i64: 2, 2048, 128>}, {transform_indices = @transform_1, window_bounds = array<i64: 2048, 128>}, {transform_indices = @transform_2, window_bounds = array<i64: 2048, 1>}, {transform_indices = @transform_3, window_bounds = array<i64: 2048, 128>}]} {
    %get3A = arith.constant 0 : index
    %get3A_0 = arith.constant 0 : index
    %get3A_1 = arith.constant 0 : index
    %get3A_2 = vector.load %arg1[%get3A, %get3A_0, %get3A_1] : memref<2x2048x128xf32, #tpu.memory_space<vmem>>, vector<1x2048x128xf32>
    %get3A_3 = vector.shape_cast %get3A_2 : vector<1x2048x128xf32> to vector<2048x128xf32>
    %get3A_4 = arith.constant 1 : index
    %get3A_5 = arith.constant 0 : index
    %get3A_6 = arith.constant 0 : index
    %get3A_7 = vector.load %arg1[%get3A_4, %get3A_5, %get3A_6] : memref<2x2048x128xf32, #tpu.memory_space<vmem>>, vector<1x2048x128xf32>
    %get3A_8 = vector.shape_cast %get3A_7 : vector<1x2048x128xf32> to vector<2048x128xf32>
    %add3A = arith.addf %get3A_3, %get3A_8 : vector<2048x128xf32>
    %get3A_9 = arith.constant 0 : index
    %get3A_10 = arith.constant 0 : index
    %get3A_11 = vector.load %arg2[%get3A_9, %get3A_10] : memref<2048x128xf32, #tpu.memory_space<vmem>>, vector<2048x128xf32>
    %add3A_12 = arith.addf %add3A, %get3A_11 : vector<2048x128xf32>
    %get3A_13 = arith.constant 0 : index
    %get3A_14 = arith.constant 0 : index
    %get3A_15 = vector.load %arg3[%get3A_13, %get3A_14] : memref<2048x1xf32, #tpu.memory_space<vmem>>, vector<2048x1xf32>
    %mul3A = vector.broadcast %get3A_15 : vector<2048x1xf32> to vector<2048x128xf32>
    %mul3A_16 = arith.mulf %add3A_12, %mul3A : vector<2048x128xf32>
    %swap3A = arith.constant 0 : index
    %swap3A_17 = arith.constant 0 : index
    %swap3A_18 = vector.load %arg4[%swap3A, %swap3A_17] : memref<2048x128xf32, #tpu.memory_space<vmem>>, vector<2048x128xf32>
    tpu.vector_store %arg4[%swap3A, %swap3A_17], %mul3A_16 {strides = array<i32>} : memref<2048x128xf32, #tpu.memory_space<vmem>>, vector<2048x128xf32>,
    return
  }
  func.func @transform_0(%arg0: i32) -> (i32, i32, i32) {
    %c0_i32 = arith.constant 0 : i32
    %c0_i32_0 = arith.constant 0 : i32
    %c0_i32_1 = arith.constant 0 : i32
    return %c0_i32, %arg0, %c0_i32_0 : i32, i32, i32
  }
  func.func @transform_1(%arg0: i32) -> (i32, i32) {
    %c0_i32 = arith.constant 0 : i32
    %c0_i32_0 = arith.constant 0 : i32
    return %arg0, %c0_i32 : i32, i32
  }
  func.func @transform_2(%arg0: i32) -> (i32, i32) {
    %c0_i32 = arith.constant 0 : i32
    %c0_i32_0 = arith.constant 0 : i32
    return %arg0, %c0_i32 : i32, i32
  }
  func.func @transform_3(%arg0: i32) -> (i32, i32) {
    %c0_i32 = arith.constant 0 : i32
    %c0_i32_0 = arith.constant 0 : i32
    return %arg0, %c0_i32 : i32, i32
  }
}

</mosaic_0001>

<sc_bundles>
// kernel: kernel.11.cloned.1.call-start
scs
__scs_entry_jumppad:
0x0: {  	(pc) =	sbr.rel $0x88, $3  }
0x1: {  	(tag) =	ssettag $0x0;
	lr =	simm.s32 $0x1  }
0x2: {  	[smem:$0x3F9D] =	sst lr;
	_ =	strace $0xD0000000  }
0x3: {  	_ = 	snop  }
0x4: {  	_ = 	snop  }
0x5: {  	_ = 	snop  }
0x6: {  	_ = 	snop  }
0x7: {  	_ = 	snop  }
__scs_overlays_trampoline_lowered:
0x8: {  	[smem:$0x3FAC] =	sst s0  }
0x9: {  	[smem:$0x3FAD] =	sst s1  }
0xa: {  	[smem:$0x3FAE] =	sst s2  }
0xb: {  	[smem:$0x3FAF] =	sst s3  }
0xc: {  	[smem:$0x3FB0] =	sst s4  }
0xd: {  	[smem:$0x3FB1] =	sst s5  }
0xe: {  	[smem:$0x3FB2] =	sst s6  }
0xf: {  	[smem:$0x3FB3] =	sst s7  }
0x10: {  	[smem:$0x3FB4] =	sst s8  }
0x11: {  	[smem:$0x3FB5] =	sst s9;
	s0 =	simm.s32 @!p0 $0x0  }
0x12: {  	s1 =	sld [smem:$0x3F9B];
	s0 =	simm.s32 @p0 $0x1  }
0x13: {  	[smem:$0x3FB6] =	sst s0;
	s0 =	simm.s32 @!p1 $0x0  }
0x14: {  	s2 =	sld [smem:$0x3F9A];
	s0 =	simm.s32 @p1 $0x1  }
0x15: {  	[smem:$0x3FB7] =	sst s0;
	s0 =	simm.s32 @!p2 $0x0  }
0x16: {  	s3 =	sld [smem:$0x3FDB];
	s0 =	simm.s32 @p2 $0x1  }
0x17: {  	s4 =	simm.s32 $0x1BF5;
	[smem:$0x3FB9] =	sst s0  }
0x18: {  	s0 =	sld [smem:$0x3F9C];
	_ =	swait.ge [sflag:s4], $0x0  }
0x19: {  	s7 =	sld [smem:$0x3F9D]  }
0x1a: {  	s8 =	sadd.s32 $0xFFFFE003, lr  }
0x1b: {  	s9 =	sadd.s32 $0xFFFFFEF7, lr;
	s5 =	simm.s32 $0xFFFFFFFF;
	p2 =	slt.u32 s8, $0xFFFFF086  }
0x1c: {  	p1 =	slt.u32 s9, $0xF7A;
	s5 =	simm.s32 @!p2 $0x0  }
0x1d: {  	s5 =	simm.s32 @p1 $0x1;
	p0 =	seq.s32 s7, s2  }
0x1e: {  	s7 =	smul.u32 @!p0 $0xF7A, s2;
	p2 =	seq.s32 @!p0 s5, $0x0  }
0x1f: {  	s9 =	smul.u32 $0xF7A, s1;
	s8 =	simm.s32 @!p0 $0x1BF5;
	p2 =	por !p2, p0  }
0x20: {  	[sflag:s8] =	ssyncset.s32 @!p0 $0xFFFFF086;
	s6 =	sadd.s32 @!p0 s3, s7;
	s7 =	simm.s32 @!p0 $0x108  }
0x21: {  	s3 =	sadd.s32 s3, s9;
	s6 =	sadd.s32 @!p0 $0x88, s6;
	s7 =	simm.s32 @p2 $0x1082  }
0x22: {  	[simem:s7], [sflag:s8] =	dma.local @!p0 [hbm:s6], $0xF7A  }
0x23: {  	s9 =	sor.u32 $0xD0000000, s2;
	s6 =	simm.s32 $0x108;
	_ =	swait.ge @!p0 [sflag:s8], $0x0  }
0x24: {  	s3 =	sadd.s32 $0x88, s3;
	s6 =	simm.s32 @!p1 $0x1082;
	[sflag:s4] =	ssyncset.s32 $0xFFFFF086  }
0x25: {  	[simem:s6], [sflag:s4] =	dma.local [hbm:s3], $0xF7A  }
0x26: {  	[smem:$0x3F9D] =	sst s1;
	(tag) =	ssettag s2;
	_ =	strace s9  }
0x27: {  	s1 =	sld [smem:$0x3FAD]  }
0x28: {  	s2 =	sld [smem:$0x3FAE]  }
0x29: {  	s4 =	sld [smem:$0x3FB0]  }
0x2a: {  	p0 =	seq.s32 s5, $0x0;
	s5 =	sld [smem:$0x3FB1]  }
0x2b: {  	s6 =	sld [smem:$0x3FB2]  }
0x2c: {  	s7 =	sld [smem:$0x3FB3]  }
0x2d: {  	s3 =	simm.s32 $0x108;
	s8 =	sld [smem:$0x3FB4]  }
0x2e: {  	s3 =	simm.s32 @!p0 $0x1082;
	s9 =	sld [smem:$0x3FB5]  }
0x2f: {  	lr =	sadd.s32 s0, s3;
	s0 =	sld [smem:$0x3FAC]  }
0x30: {  	s3 =	sld [smem:$0x3FAF]  }
0x31: {  	[smem:$0x3FB8] =	sst s10  }
0x32: {  	s10 =	sld [smem:$0x3FB6];
	_ =	sdelay $0x3  }
0x33: {  	p0 =	seq.s32 s10, $0x1;
	s10 =	sld [smem:$0x3FB8];
	_ =	sdelay $0x3  }
0x34: {  	[smem:$0x3FB8] =	sst s10  }
0x35: {  	s10 =	sld [smem:$0x3FB7];
	_ =	sdelay $0x3  }
0x36: {  	p1 =	seq.s32 s10, $0x1;
	s10 =	sld [smem:$0x3FB8];
	_ =	sdelay $0x3  }
0x37: {  	[smem:$0x3FB8] =	sst s10  }
0x38: {  	s10 =	sld [smem:$0x3FB9]  }
0x39: {  	_ = 	snop;
	(pc) =	sbr.ind lr, $3  }
0x3a: {  	_ = 	snop  }
0x3b: {  	_ = 	snop  }
0x3c: {  	p2 =	seq.s32 s10, $0x1;
	s10 =	sld [smem:$0x3FB8]  }
0x3d: {  	_ =	shalt  }
0x3e: {  	_ =	shalt  }
0x3f: {  	_ =	shalt  }
0x40: {  	_ =	shalt  }
0x41: {  	_ =	shalt  }
0x42: {  	_ =	shalt  }
0x43: {  	_ =	shalt  }
0x44: {  	_ =	shalt  }
0x45: {  	_ =	shalt  }
0x46: {  	_ =	shalt  }
0x47: {  	_ =	shalt  }
0x48: {  	_ =	shalt  }
0x49: {  	_ =	shalt  }
0x4a: {  	_ =	shalt  }
0x4b: {  	_ =	shalt  }
0x4c: {  	_ =	shalt  }
0x4d: {  	_ =	shalt  }
0x4e: {  	_ =	shalt  }
0x4f: {  	_ =	shalt  }
0x50: {  	_ =	shalt  }
0x51: {  	_ =	shalt  }
0x52: {  	_ =	shalt  }
0x53: {  	_ =	shalt  }
0x54: {  	_ =	shalt  }
0x55: {  	_ =	shalt  }
0x56: {  	_ =	shalt  }
0x57: {  	_ =	shalt  }
0x58: {  	_ =	shalt  }
0x59: {  	_ =	shalt  }
0x5a: {  	_ =	shalt  }
0x5b: {  	_ =	shalt  }
0x5c: {  	_ =	shalt  }
0x5d: {  	_ =	shalt  }
0x5e: {  	_ =	shalt  }
0x5f: {  	_ =	shalt  }
0x60: {  	_ =	shalt  }
0x61: {  	_ =	shalt  }
0x62: {  	_ =	shalt  }
0x63: {  	_ =	shalt  }
0x64: {  	_ =	shalt  }
0x65: {  	_ =	shalt  }
0x66: {  	_ =	shalt  }
0x67: {  	_ =	shalt  }
0x68: {  	_ =	shalt  }
0x69: {  	_ =	shalt  }
0x6a: {  	_ =	shalt  }
0x6b: {  	_ =	shalt  }
0x6c: {  	_ =	shalt  }
0x6d: {  	_ =	shalt  }
0x6e: {  	_ =	shalt  }
0x6f: {  	_ =	shalt  }
0x70: {  	_ =	shalt  }
0x71: {  	_ =	shalt  }
0x72: {  	_ =	shalt  }
0x73: {  	_ =	shalt  }
0x74: {  	_ =	shalt  }
0x75: {  	_ =	shalt  }
0x76: {  	_ =	shalt  }
0x77: {  	_ =	shalt  }
0x78: {  	_ =	shalt  }
0x79: {  	_ =	shalt  }
0x7a: {  	_ =	shalt  }
0x7b: {  	_ =	shalt  }
0x7c: {  	_ =	shalt  }
0x7d: {  	_ =	shalt  }
0x7e: {  	_ =	shalt  }
0x7f: {  	_ =	shalt  }
0x80: {  	_ =	shalt  }
0x81: {  	_ =	shalt  }
0x82: {  	_ =	shalt  }
0x83: {  	_ =	shalt  }
0x84: {  	_ =	shalt  }
0x85: {  	_ =	shalt  }
0x86: {  	_ =	shalt  }
0x87: {  	_ =	shalt  }
.Lfunc_end0:
.L_simem_size_0:
called_computation.1_lowered:
.L_overlay_start_0:
0x88: {  	s2 =	sld [smem:$0x3FD9]  }
0x89: {  	s3 =	sld [smem:$0x3FFE];
	_ =	sdelay $0x1  }
0x8a: {  	s1 =	srdreg.scid  }
0x8b: {  	s0 =	sand.u32 $0x1, s1  }
0x8c: {  	s17 =	sshll.u32 s0, $0xA;
	s2 =	sadd.s32 s3, s2  }
0x8d: {  	s2 =	sadd.s32 s2, s17  }
0x8e: {  	[smem:$0x3FC4] =	sst s2  }
0x8f: {  	_ = 	snop  }
0x90: {  	s2 =	sld [smem:$0x3FD0];
	(tm) =	ssettm $0x1  }
0x91: {  	s18 =	sld [smem:$0x3FFB];
	_ =	sdelay $0x3  }
0x92: {  	_ =	strace s18  }
0x93: {  	s3 =	sld [smem:$0x3FFC];
	_ =	sdelay $0x3  }
0x94: {  	_ =	strace s3  }
0x95: {  	s3 =	sld [smem:$0x3FFD];
	_ =	sdelay $0x3  }
0x96: {  	_ =	strace s3  }
0x97: {  	_ =	strace $0x8FFFFFFF  }
0x98: {  	s19 =	sld [smem:$0x3FDB];
	_ =	sdelay $0x1  }
0x99: {  	s4 =	simm.s32 $_scs_section_size  }
0x9a: {  	s5 =	simm.s32 $_size__tile_overlayer_lowered;
	s6 =	simm.s32 $_tile_overlayer_lowered  }
0x9b: {  	s22 =	simm.s32 $0x1BFF;
	s21 =	sshll.u32 s6, $0x1;
	s3 =	sadd.s32 s4, s19  }
0x9c: {  	s7 =	simm.s32 $0x0;
	s20 =	sshll.u32 s5, $0x1;
	s5 =	sadd.s32 s21, s3  }
0x9d: {  	[timem:s7], [sflag:s22] =	dma.local [hbm:s5], s20  }
0x9e: {  	_ =	swait.ge [sflag:s22], s20  }
0x9f: {  	s4 =	ssub.s32 $0x0, s20;
	[sflag:s22] =	ssyncset.done $0x0  }
0xa0: {  	[sflag:s22] =	ssyncadd.s32 s4;
	_ =	sdelay $0x1  }
0xa1: {  	s23 =	simm.s32 $0x1B8B  }
0xa2: {  	_ =	swait.ge [sflag:s23], $0x1  }
0xa3: {  	[sflag:s23] =	ssyncset.done $0x0  }
0xa4: {  	s25 =	simm.s32 $0x1B8E;
	s24 =	sld [smem:$0x3FFE];
	[sflag:s23] =	ssyncadd.s32 $0xFFFFFFFF  }
0xa5: {  	s26 =	simm.s32 $execute0_lowered;
	[smem:$0x3FD2] =	sst s25  }
0xa6: {  	s5 =	sshll.u32 s26, $0x1;
	_ =	strace $0x80000049;
	[dreg:$0x1] =	wrdreg $0xFFFFFFFF  }
0xa7: {  	s28 =	simm.s32 $_size_execute0_lowered;
	s3 =	sadd.s32 s3, s5;
	[dreg:$0x0] =	wrdreg $0x0  }
0xa8: {  	s5 =	sshll.u32 s28, $0x1;
	[dreg:$0x2] =	wrdreg s3  }
0xa9: {  	[dreg:$0x3] =	wrdreg s5  }
0xaa: {  	[dreg:$0x4] =	wrdreg $0xC0  }
0xab: {  	_ =	task [dreg:s7], $0x5FFFF  }
0xac: {  	[dreg:$0x1] =	wrdreg $0xFFFFFFFF  }
0xad: {  	[dreg:$0x0] =	wrdreg $0x60  }
0xae: {  	[dreg:$0x2] =	wrdreg s24  }
0xaf: {  	[dreg:$0x3] =	wrdreg s2  }
0xb0: {  	[dreg:$0x4] =	wrdreg $0xBC000  }
0xb1: {  	[dreg:$0x5] =	wrdreg $0x9  }
0xb2: {  	_ =	task.clear_ibuf [dreg:s7], $0x6FFFF;
	_ =	strace $0x90000049  }
0xb3: {  	s29 =	simm.s32 $0x9;
	_ =	strace $0x8000004B  }
0xb4: {  	_ =	swait.ge [sflag:s29], $0x1  }
0xb5: {  	[sflag:s29] =	ssyncadd.s32 $0xFFFFFFFF  }
0xb6: {  	_ =	strace $0x9000004B  }
0xb7: {  	_ =	sfence  }
0xb8: {  	s30 =	sld [smem:$0x0];
	_ =	sdelay $0x2  }
0xb9: {  	s31 =	sshll.u32 s1, $0xD;
	s1 =	sshrl.u32 s1, $0x2  }
0xba: {  	s3 =	sand.u32 $0x4000, s31;
	s1 =	sadd.s32 s1, s30  }
0xbb: {  	s0 =	sor.u32 s3, s0;
	s1 =	sshll.u32 s1, $0x11  }
0xbc: {  	s0 =	sor.u32 s1, s0  }
0xbd: {  	s0 =	sadd.s32 $0x8F2B, s0  }
0xbe: {  	[sflag:s0] =	ssyncadd.remote.s32 $0x1  }
0xbf: {  	_ =	sfence.sel $0xFFFF  }
0xc0: {  	[dreg:$0x0] =	wrdreg $0xFFFFFFFF;
	(pc) =	sbr.abs _section_cstart, $3  }
0xc1: {  	[dreg:$0x1] =	wrdreg $0xFFFFFFFF  }
0xc2: {  	_ =	task.clear_ibuf [dreg:s7], $0x2FFFF;
	_ =	strace $0x9FFFFFFF  }
0xc3: {  	(tm) =	ssettm $0x7FFFFFFF  }
tec
execute0_lowered:
.L_overlay_start_1:
0x0: {  	(tag) =	ssettag $0x1  }
0x1: {  	s6 =	rddreg [dreg:$0x0]  }
0x2: {  	s0 =	srdreg.scid;
	s7 =	rddreg [dreg:$0x1]  }
0x3: {  	s2 =	rddreg [dreg:$0x2];
	s3 =	simm.s32 $0x0;
	s15 =	simm.s32 $0x3C00  }
0x4: {  	s16 =	simm.s32 $0x7C00;
	s17 =	simm.s32 $0x2800;
	s18 =	simm.s32 $0x1  }
0x5: {  	s19 =	simm.s32 $0x2;
	s20 =	simm.s32 $0x3;
	s21 =	simm.s32 $0x4  }
0x6: {  	s22 =	simm.s32 $0x3B00;
	s23 =	simm.s32 $0x3B80;
	s5 =	sand.u32 $0x1, s0  }
0x7: {  	s24 =	simm.s32 $0x0;
	s0 =	stileid.u32;
	s8 =	smul.u32 $0x140000, s5  }
0x8: {  	[smem:$0x7FF] =	sst s3;
	s1 =	sshll.u32 s5, $0x4;
	s10 =	smul.u32 $0x14000, s0  }
0x9: {  	s28 =	ssub.s32 $0x2, s5;
	s12 =	smul.u32 $0x50000, s0;
	s5 =	sadd.s32 $0x2600, s6  }
0xa: {  	s31 =	sshll.u32 s0, $0x6;
	s1 =	sor.u32 s0, s1;
	s13 =	sshrl.u32 s28, $0x1  }
0xb: {  	s4 =	smul.u32 $0x2800, s1;
	s1 =	rddreg [dreg:$0x3];
	_ =	strace $0x8000004A  }
0xc: {  	s8 =	sadd.s32 s10, s8;
	s10 =	ssub.s32 s28, s13;
	s29 =	sshrl.u32 s12, $0x2  }
0xd: {  	s12 =	sor.u32 $0x1C05, s31;
	s8 =	sshrl.u32 s8, $0x3;
	s30 =	sadd.s32 s29, s2  }
0xe: {  	s10 =	smax.u32 s10, $0x1;
	s9 =	sshrl.u32 s4, $0x3;
	s4 =	sadd.s32 $0x16600, s6  }
0xf: {  	s14 =	sadd.s32 s8, s6;
	s13 =	sshrl.u32 s30, $0x3;
	s11 =	sadd.s32 s9, s6  }
0x10: {  	s6 =	sadd.s32 s7, s9;
	s9 =	sadd.s32 $0x3E600, s14;
	s14 =	simm.s32 $0x80  }
0x11: {  	s7 =	sadd.s32 $0xC600, s11;
	s8 =	sadd.s32 $0xC880, s11;
	s11 =	simm.s32 $0x5  }
.LBB2_1:
0x12: {  	[tilespmem:s3], [sflag:$0x5] =	stream.linear.gather [hbm4b:s6+s3], $0x2800, $0x38;
	[tilespmem:$0x1FC00] =	vst v63  }
0x13: {  	_ =	swait.ge [sflag:s11], $0x2800  }
0x14: {  	[sflag:s11] =	ssyncset.done $0x0  }
0x15: {  	[sflag:s11] =	ssyncadd.s32 $0xFFFFD800  }
0x16: {  	[spmem:s13], [sflag:s12] =	dma.local [hbm:s5], $0x2800  }
0x17: {  	_ =	swait.ge [sflag:s11], $0x2800  }
0x18: {  	[sflag:s11] =	ssyncset.done $0x0  }
0x19: {  	[sflag:s11] =	ssyncadd.s32 $0xFFFFD800  }
0x1a: {  	[bflag:$0x0] =	sbarrier.arrive $0xFFFF  }
0x1b: {  	[tilespmem:s15], [sflag:$0x1] =	stream.indirect.gather [hbm4b:s4+s14], $0x80, s3, s14, $0xb8;
	[tilespmem:$0x1FC00] =	vst v63  }
0x1c: {  	_ = 	snop  }
0x1d: {  	[tilespmem:s16], [sflag:$0x2] =	stream.indirect.gather [hbm4b:s4+s14], $0x80, s14, s14, $0xb8;
	[tilespmem:$0x1FC00] =	vst v63  }
0x1e: {  	_ = 	snop  }
0x1f: {  	[tilespmem:s17], [sflag:$0x5] =	stream.linear.gather [hbm4b:s7+s3], $0x1400, $0x38;
	[tilespmem:$0x1FC00] =	vst v63  }
0x20: {  	_ =	swait.ge [sflag:s11], $0x1400  }
0x21: {  	[sflag:s11] =	ssyncset.done $0x0  }
0x22: {  	[sflag:s11] =	ssyncadd.s32 $0xFFFFEC00  }
0x23: {  	_ =	swait.ge [sflag:s18], $0x4000  }
0x24: {  	[sflag:s18] =	ssyncset.done $0x0  }
0x25: {  	s25 =	simm.s32 $0x2800;
	[sflag:s18] =	ssyncadd.s32 $0xFFFFC000  }
0x26: {  	[spmem:s2] =	stream.indirect.scatter.add.f32 [tilespmem:s15], [sflag:$0x3], $0x80, s25, s14, $0xb8;
	[tilespmem:$0x1FC00] =	vst v63  }
0x27: {  	_ =	swait.ge [sflag:s19], $0x4000  }
0x28: {  	[sflag:s19] =	ssyncset.done $0x0  }
0x29: {  	s30 =	simm.s32 $0x2880;
	[sflag:s19] =	ssyncadd.s32 $0xFFFFC000  }
0x2a: {  	[spmem:s2] =	stream.indirect.scatter.add.f32 [tilespmem:s16], [sflag:$0x4], $0x80, s30, s14, $0xb8;
	[tilespmem:$0x1FC00] =	vst v63  }
0x2b: {  	_ =	swait.ge [sflag:s20], $0x4000  }
0x2c: {  	[sflag:s20] =	ssyncset.done $0x0  }
0x2d: {  	s31 =	simm.s32 $0x100;
	[sflag:s20] =	ssyncadd.s32 $0xFFFFC000  }
0x2e: {  	[tilespmem:s15], [sflag:$0x1] =	stream.indirect.gather [hbm4b:s4+s14], $0x80, s31, s14, $0xb8;
	[tilespmem:$0x1FC00] =	vst v63  }
0x2f: {  	_ =	swait.ge [sflag:s21], $0x4000  }
0x30: {  	[sflag:s21] =	ssyncset.done $0x0  }
0x31: {  	s26 =	simm.s32 $0x180;
	s25 =	simm.s32 $0x400;
	[sflag:s21] =	ssyncadd.s32 $0xFFFFC000  }
.LBB2_2:
0x32: {  	[tilespmem:s16], [sflag:$0x2] =	stream.indirect.gather [hbm4b:s4+s14], $0x80, s26, s14, $0xb8;
	[tilespmem:$0x1FC00] =	vst v63  }
0x33: {  	s26 =	smov.u32 s25  }
0x34: {  	p0 =	sne.s32 s25, $0x4C00;
	s25 =	sadd.s32 $0x400, s25;
	_ =	swait.ge [sflag:s18], $0x4000  }
0x35: {  	s26 =	sshra.s32 s26, $0x2;
	[sflag:s18] =	ssyncset.done $0x0  }
0x36: {  	s28 =	sadd.s32 $0x2800, s26;
	[sflag:s18] =	ssyncadd.s32 $0xFFFFC000  }
0x37: {  	[spmem:s2] =	stream.indirect.scatter.add.f32 [tilespmem:s15], [sflag:$0x3], $0x80, s28, s14, $0xb8;
	[tilespmem:$0x1FC00] =	vst v63  }
0x38: {  	_ =	swait.ge [sflag:s19], $0x4000  }
0x39: {  	[sflag:s19] =	ssyncset.done $0x0  }
0x3a: {  	s28 =	sadd.s32 $0x2880, s26;
	[sflag:s19] =	ssyncadd.s32 $0xFFFFC000  }
0x3b: {  	[spmem:s2] =	stream.indirect.scatter.add.f32 [tilespmem:s16], [sflag:$0x4], $0x80, s28, s14, $0xb8;
	[tilespmem:$0x1FC00] =	vst v63  }
0x3c: {  	_ =	swait.ge [sflag:s20], $0x4000  }
0x3d: {  	[sflag:s20] =	ssyncset.done $0x0  }
.Ltmp0:
0x3e: {  	s28 =	sadd.s32 $0x100, s26;
	[sflag:s20] =	ssyncadd.s32 $0xFFFFC000;
	(pc) =	sbr.rel @p0 .LBB2_2-.Ltmp0, $4  }
0x3f: {  	[tilespmem:s15], [sflag:$0x1] =	stream.indirect.gather [hbm4b:s4+s14], $0x80, s28, s14, $0xb8;
	[tilespmem:$0x1FC00] =	vst v63  }
0x40: {  	_ =	swait.ge [sflag:s21], $0x4000  }
0x41: {  	[sflag:s21] =	ssyncset.done $0x0  }
0x42: {  	s26 =	sadd.s32 $0x180, s26;
	[sflag:s21] =	ssyncadd.s32 $0xFFFFC000  }
0x43: {  	[tilespmem:s16], [sflag:$0x2] =	stream.indirect.gather [hbm4b:s4+s14], $0x80, s26, s14, $0xb8;
	[tilespmem:$0x1FC00] =	vst v63  }
0x44: {  	s25 =	simm.s32 $0x0  }
0x45: {  	[tilespmem:s17], [sflag:$0x5] =	stream.linear.gather [hbm4b:s8+s25], $0x1400, $0x38;
	[tilespmem:$0x1FC00] =	vst v63  }
0x46: {  	_ =	swait.ge [sflag:s11], $0x1400  }
0x47: {  	[sflag:s11] =	ssyncset.done $0x0  }
0x48: {  	[sflag:s11] =	ssyncadd.s32 $0xFFFFEC00  }
0x49: {  	_ =	swait.ge [sflag:s18], $0x4000  }
0x4a: {  	[sflag:s18] =	ssyncset.done $0x0  }
0x4b: {  	s29 =	simm.s32 $0x2800;
	[sflag:s18] =	ssyncadd.s32 $0xFFFFC000  }
0x4c: {  	[spmem:s2] =	stream.indirect.scatter.add.f32 [tilespmem:s15], [sflag:$0x3], $0x80, s29, s14, $0xb8;
	[tilespmem:$0x1FC00] =	vst v63  }
0x4d: {  	_ =	swait.ge [sflag:s19], $0x4000  }
0x4e: {  	[sflag:s19] =	ssyncset.done $0x0  }
0x4f: {  	s30 =	simm.s32 $0x2880;
	[sflag:s19] =	ssyncadd.s32 $0xFFFFC000  }
0x50: {  	[spmem:s2] =	stream.indirect.scatter.add.f32 [tilespmem:s16], [sflag:$0x4], $0x80, s30, s14, $0xb8;
	[tilespmem:$0x1FC00] =	vst v63  }
0x51: {  	_ =	swait.ge [sflag:s20], $0x4000  }
0x52: {  	[sflag:s20] =	ssyncset.done $0x0  }
0x53: {  	s31 =	simm.s32 $0x1500;
	[sflag:s20] =	ssyncadd.s32 $0xFFFFC000  }
0x54: {  	[tilespmem:s15], [sflag:$0x1] =	stream.indirect.gather [hbm4b:s4+s14], $0x80, s31, s14, $0xb8;
	[tilespmem:$0x1FC00] =	vst v63  }
0x55: {  	_ =	swait.ge [sflag:s21], $0x4000  }
0x56: {  	[sflag:s21] =	ssyncset.done $0x0  }
0x57: {  	s26 =	simm.s32 $0x1580;
	s25 =	simm.s32 $0x400;
	[sflag:s21] =	ssyncadd.s32 $0xFFFFC000  }
.LBB2_4:
0x58: {  	[tilespmem:s16], [sflag:$0x2] =	stream.indirect.gather [hbm4b:s4+s14], $0x80, s26, s14, $0xb8;
	[tilespmem:$0x1FC00] =	vst v63  }
0x59: {  	s26 =	smov.u32 s25  }
0x5a: {  	p0 =	sne.s32 s25, $0x4800;
	s25 =	sadd.s32 $0x400, s25;
	_ =	swait.ge [sflag:s18], $0x4000  }
0x5b: {  	s26 =	sshra.s32 s26, $0x2;
	[sflag:s18] =	ssyncset.done $0x0  }
0x5c: {  	s28 =	sadd.s32 $0x2800, s26;
	[sflag:s18] =	ssyncadd.s32 $0xFFFFC000  }
0x5d: {  	[spmem:s2] =	stream.indirect.scatter.add.f32 [tilespmem:s15], [sflag:$0x3], $0x80, s28, s14, $0xb8;
	[tilespmem:$0x1FC00] =	vst v63  }
0x5e: {  	_ =	swait.ge [sflag:s19], $0x4000  }
0x5f: {  	[sflag:s19] =	ssyncset.done $0x0  }
0x60: {  	s28 =	sadd.s32 $0x2880, s26;
	[sflag:s19] =	ssyncadd.s32 $0xFFFFC000  }
0x61: {  	[spmem:s2] =	stream.indirect.scatter.add.f32 [tilespmem:s16], [sflag:$0x4], $0x80, s28, s14, $0xb8;
	[tilespmem:$0x1FC00] =	vst v63  }
0x62: {  	_ =	swait.ge [sflag:s20], $0x4000  }
0x63: {  	[sflag:s20] =	ssyncset.done $0x0  }
.Ltmp1:
0x64: {  	s28 =	sadd.s32 $0x1500, s26;
	[sflag:s20] =	ssyncadd.s32 $0xFFFFC000;
	(pc) =	sbr.rel @p0 .LBB2_4-.Ltmp1, $4  }
0x65: {  	[tilespmem:s15], [sflag:$0x1] =	stream.indirect.gather [hbm4b:s4+s14], $0x80, s28, s14, $0xb8;
	[tilespmem:$0x1FC00] =	vst v63  }
0x66: {  	_ =	swait.ge [sflag:s21], $0x4000  }
0x67: {  	[sflag:s21] =	ssyncset.done $0x0  }
0x68: {  	s26 =	sadd.s32 $0x1580, s26;
	[sflag:s21] =	ssyncadd.s32 $0xFFFFC000  }
0x69: {  	[tilespmem:s16], [sflag:$0x2] =	stream.indirect.gather [hbm4b:s4+s14], $0x80, s26, s14, $0xb8;
	[tilespmem:$0x1FC00] =	vst v63  }
0x6a: {  	_ =	swait.ge [sflag:s18], $0x4000  }
0x6b: {  	[sflag:s18] =	ssyncset.done $0x0  }
0x6c: {  	[sflag:s18] =	ssyncadd.s32 $0xFFFFC000  }
0x6d: {  	[spmem:s2] =	stream.indirect.scatter.add.f32 [tilespmem:s15], [sflag:$0x3], $0x80, s22, s14, $0xb8;
	[tilespmem:$0x1FC00] =	vst v63  }
0x6e: {  	_ =	swait.ge [sflag:s19], $0x4000  }
0x6f: {  	[sflag:s19] =	ssyncset.done $0x0  }
0x70: {  	[sflag:s19] =	ssyncadd.s32 $0xFFFFC000  }
0x71: {  	[spmem:s2] =	stream.indirect.scatter.add.f32 [tilespmem:s16], [sflag:$0x4], $0x80, s23, s14, $0xb8;
	[tilespmem:$0x1FC00] =	vst v63  }
0x72: {  	_ =	swait.ge [sflag:s20], $0x4000  }
0x73: {  	[sflag:s20] =	ssyncset.done $0x0  }
0x74: {  	[sflag:s20] =	ssyncadd.s32 $0xFFFFC000  }
0x75: {  	_ =	swait.ge [sflag:s21], $0x4000  }
0x76: {  	s24 =	sadd.s32 $0x1, s24;
	[sflag:s21] =	ssyncset.done $0x0  }
0x77: {  	p0 =	sne.s32 s24, s10;
	[sflag:s21] =	ssyncadd.s32 $0xFFFFC000  }
.Ltmp2:
0x78: {  	[bflag:$0x0] =	sbarrier.arrive $0xFFFF;
	(pc) =	sbr.rel @p0 .LBB2_1-.Ltmp2, $4  }
0x79: {  	[hbm:s9], [sflag:s12] =	dma.local [spmem:s13], $0x2800  }
0x7a: {  	_ =	swait.ge [sflag:s11], $0x2800  }
0x7b: {  	[sflag:s11] =	ssyncset.done $0x0  }
0x7c: {  	[sflag:s11] =	ssyncadd.s32 $0xFFFFD800  }
0x7d: {  	_ =	sfence.sel $0x180000  }
0x7e: {  	[bflag:$0x0] =	sbarrier.arrive $0xFFFF  }
0x7f: {  	p0 =	sne.s32 s0, $0x0;
	_ =	strace $0x9000004A  }
0x80: {  	s0 =	sadd.s32 @!p0 $0x100000, s1;
	[bflag:$0x2] =	sbarrier.arrive $0xFFFF  }
0x81: {  	[sflag:s0] =	ssyncadd.tile.s32 @!p0 $0x1;
	_ =	shalt  }
.Lfunc_end2:
_tile_overlayer_lowered:
.L_overlay_start_2:
0x82: {  	(tag) =	ssettag $0x2  }
0x83: {  	s0 =	rddreg [dreg:$0x0];
	s2 =	stileid.u32  }
0x84: {  	s1 =	rddreg [dreg:$0x1];
	p0 =	sne.s32 s2, $0x0  }
0x85: {  	s3 =	rddreg [dreg:$0x2];
	[bflag:$0x3] =	sbarrier.arrive $0xFFFF;
	s2 =	simm.s32 @!p0 $0x1C05  }
0x86: {  	[timem:s3], [sflag:s2] =	dma.local @!p0 [hbm:s0], s1  }
0x87: {  	s0 =	simm.s32 @!p0 $0x5  }
0x88: {  	_ =	swait.ge @!p0 [sflag:s0], s1  }
0x89: {  	s1 =	ssub.s32 @!p0 $0x0, s1;
	[sflag:s0] =	ssyncset.done @!p0 $0x0  }
0x8a: {  	[sflag:s0] =	ssyncadd.s32 @!p0 s1  }
0x8b: {  	[bflag:$0x3] =	sbarrier.arrive $0xFFFF  }
0x8c: {  	_ =	shalt  }

// kernel: kernel.14.cloned.1.call-start
scs
__scs_entry_jumppad:
0x0: {  	(pc) =	sbr.rel $0x88, $3  }
0x1: {  	(tag) =	ssettag $0x0;
	lr =	simm.s32 $0x1  }
0x2: {  	[smem:$0x3F9D] =	sst lr;
	_ =	strace $0xD0000000  }
0x3: {  	_ = 	snop  }
0x4: {  	_ = 	snop  }
0x5: {  	_ = 	snop  }
0x6: {  	_ = 	snop  }
0x7: {  	_ = 	snop  }
__scs_overlays_trampoline_lowered:
0x8: {  	[smem:$0x3FAC] =	sst s0  }
0x9: {  	[smem:$0x3FAD] =	sst s1  }
0xa: {  	[smem:$0x3FAE] =	sst s2  }
0xb: {  	[smem:$0x3FAF] =	sst s3  }
0xc: {  	[smem:$0x3FB0] =	sst s4  }
0xd: {  	[smem:$0x3FB1] =	sst s5  }
0xe: {  	[smem:$0x3FB2] =	sst s6  }
0xf: {  	[smem:$0x3FB3] =	sst s7  }
0x10: {  	[smem:$0x3FB4] =	sst s8  }
0x11: {  	[smem:$0x3FB5] =	sst s9;
	s0 =	simm.s32 @!p0 $0x0  }
0x12: {  	s1 =	sld [smem:$0x3F9B];
	s0 =	simm.s32 @p0 $0x1  }
0x13: {  	[smem:$0x3FB6] =	sst s0;
	s0 =	simm.s32 @!p1 $0x0  }
0x14: {  	s2 =	sld [smem:$0x3F9A];
	s0 =	simm.s32 @p1 $0x1  }
0x15: {  	[smem:$0x3FB7] =	sst s0;
	s0 =	simm.s32 @!p2 $0x0  }
0x16: {  	s3 =	sld [smem:$0x3FDB];
	s0 =	simm.s32 @p2 $0x1  }
0x17: {  	s4 =	simm.s32 $0x1BF5;
	[smem:$0x3FB9] =	sst s0  }
0x18: {  	s0 =	sld [smem:$0x3F9C];
	_ =	swait.ge [sflag:s4], $0x0  }
0x19: {  	s7 =	sld [smem:$0x3F9D]  }
0x1a: {  	s8 =	sadd.s32 $0xFFFFE003, lr  }
0x1b: {  	s9 =	sadd.s32 $0xFFFFFEF7, lr;
	s5 =	simm.s32 $0xFFFFFFFF;
	p2 =	slt.u32 s8, $0xFFFFF086  }
0x1c: {  	p1 =	slt.u32 s9, $0xF7A;
	s5 =	simm.s32 @!p2 $0x0  }
0x1d: {  	s5 =	simm.s32 @p1 $0x1;
	p0 =	seq.s32 s7, s2  }
0x1e: {  	s7 =	smul.u32 @!p0 $0xF7A, s2;
	p2 =	seq.s32 @!p0 s5, $0x0  }
0x1f: {  	s9 =	smul.u32 $0xF7A, s1;
	s8 =	simm.s32 @!p0 $0x1BF5;
	p2 =	por !p2, p0  }
0x20: {  	[sflag:s8] =	ssyncset.s32 @!p0 $0xFFFFF086;
	s6 =	sadd.s32 @!p0 s3, s7;
	s7 =	simm.s32 @!p0 $0x108  }
0x21: {  	s3 =	sadd.s32 s3, s9;
	s6 =	sadd.s32 @!p0 $0x88, s6;
	s7 =	simm.s32 @p2 $0x1082  }
0x22: {  	[simem:s7], [sflag:s8] =	dma.local @!p0 [hbm:s6], $0xF7A  }
0x23: {  	s9 =	sor.u32 $0xD0000000, s2;
	s6 =	simm.s32 $0x108;
	_ =	swait.ge @!p0 [sflag:s8], $0x0  }
0x24: {  	s3 =	sadd.s32 $0x88, s3;
	s6 =	simm.s32 @!p1 $0x1082;
	[sflag:s4] =	ssyncset.s32 $0xFFFFF086  }
0x25: {  	[simem:s6], [sflag:s4] =	dma.local [hbm:s3], $0xF7A  }
0x26: {  	[smem:$0x3F9D] =	sst s1;
	(tag) =	ssettag s2;
	_ =	strace s9  }
0x27: {  	s1 =	sld [smem:$0x3FAD]  }
0x28: {  	s2 =	sld [smem:$0x3FAE]  }
0x29: {  	s4 =	sld [smem:$0x3FB0]  }
0x2a: {  	p0 =	seq.s32 s5, $0x0;
	s5 =	sld [smem:$0x3FB1]  }
0x2b: {  	s6 =	sld [smem:$0x3FB2]  }
0x2c: {  	s7 =	sld [smem:$0x3FB3]  }
0x2d: {  	s3 =	simm.s32 $0x108;
	s8 =	sld [smem:$0x3FB4]  }
0x2e: {  	s3 =	simm.s32 @!p0 $0x1082;
	s9 =	sld [smem:$0x3FB5]  }
0x2f: {  	lr =	sadd.s32 s0, s3;
	s0 =	sld [smem:$0x3FAC]  }
0x30: {  	s3 =	sld [smem:$0x3FAF]  }
0x31: {  	[smem:$0x3FB8] =	sst s10  }
0x32: {  	s10 =	sld [smem:$0x3FB6];
	_ =	sdelay $0x3  }
0x33: {  	p0 =	seq.s32 s10, $0x1;
	s10 =	sld [smem:$0x3FB8];
	_ =	sdelay $0x3  }
0x34: {  	[smem:$0x3FB8] =	sst s10  }
0x35: {  	s10 =	sld [smem:$0x3FB7];
	_ =	sdelay $0x3  }
0x36: {  	p1 =	seq.s32 s10, $0x1;
	s10 =	sld [smem:$0x3FB8];
	_ =	sdelay $0x3  }
0x37: {  	[smem:$0x3FB8] =	sst s10  }
0x38: {  	s10 =	sld [smem:$0x3FB9]  }
0x39: {  	_ = 	snop;
	(pc) =	sbr.ind lr, $3  }
0x3a: {  	_ = 	snop  }
0x3b: {  	_ = 	snop  }
0x3c: {  	p2 =	seq.s32 s10, $0x1;
	s10 =	sld [smem:$0x3FB8]  }
0x3d: {  	_ =	shalt  }
0x3e: {  	_ =	shalt  }
0x3f: {  	_ =	shalt  }
0x40: {  	_ =	shalt  }
0x41: {  	_ =	shalt  }
0x42: {  	_ =	shalt  }
0x43: {  	_ =	shalt  }
0x44: {  	_ =	shalt  }
0x45: {  	_ =	shalt  }
0x46: {  	_ =	shalt  }
0x47: {  	_ =	shalt  }
0x48: {  	_ =	shalt  }
0x49: {  	_ =	shalt  }
0x4a: {  	_ =	shalt  }
0x4b: {  	_ =	shalt  }
0x4c: {  	_ =	shalt  }
0x4d: {  	_ =	shalt  }
0x4e: {  	_ =	shalt  }
0x4f: {  	_ =	shalt  }
0x50: {  	_ =	shalt  }
0x51: {  	_ =	shalt  }
0x52: {  	_ =	shalt  }
0x53: {  	_ =	shalt  }
0x54: {  	_ =	shalt  }
0x55: {  	_ =	shalt  }
0x56: {  	_ =	shalt  }
0x57: {  	_ =	shalt  }
0x58: {  	_ =	shalt  }
0x59: {  	_ =	shalt  }
0x5a: {  	_ =	shalt  }
0x5b: {  	_ =	shalt  }
0x5c: {  	_ =	shalt  }
0x5d: {  	_ =	shalt  }
0x5e: {  	_ =	shalt  }
0x5f: {  	_ =	shalt  }
0x60: {  	_ =	shalt  }
0x61: {  	_ =	shalt  }
0x62: {  	_ =	shalt  }
0x63: {  	_ =	shalt  }
0x64: {  	_ =	shalt  }
0x65: {  	_ =	shalt  }
0x66: {  	_ =	shalt  }
0x67: {  	_ =	shalt  }
0x68: {  	_ =	shalt  }
0x69: {  	_ =	shalt  }
0x6a: {  	_ =	shalt  }
0x6b: {  	_ =	shalt  }
0x6c: {  	_ =	shalt  }
0x6d: {  	_ =	shalt  }
0x6e: {  	_ =	shalt  }
0x6f: {  	_ =	shalt  }
0x70: {  	_ =	shalt  }
0x71: {  	_ =	shalt  }
0x72: {  	_ =	shalt  }
0x73: {  	_ =	shalt  }
0x74: {  	_ =	shalt  }
0x75: {  	_ =	shalt  }
0x76: {  	_ =	shalt  }
0x77: {  	_ =	shalt  }
0x78: {  	_ =	shalt  }
0x79: {  	_ =	shalt  }
0x7a: {  	_ =	shalt  }
0x7b: {  	_ =	shalt  }
0x7c: {  	_ =	shalt  }
0x7d: {  	_ =	shalt  }
0x7e: {  	_ =	shalt  }
0x7f: {  	_ =	shalt  }
0x80: {  	_ =	shalt  }
0x81: {  	_ =	shalt  }
0x82: {  	_ =	shalt  }
0x83: {  	_ =	shalt  }
0x84: {  	_ =	shalt  }
0x85: {  	_ =	shalt  }
0x86: {  	_ =	shalt  }
0x87: {  	_ =	shalt  }
.Lfunc_end0:
.L_simem_size_0:
called_computation.2_lowered:
.L_overlay_start_0:
0x88: {  	s2 =	sld [smem:$0x3FD9]  }
0x89: {  	s3 =	sld [smem:$0x3FFE];
	_ =	sdelay $0x1  }
0x8a: {  	s1 =	srdreg.scid  }
0x8b: {  	s0 =	sand.u32 $0x1, s1  }
0x8c: {  	s17 =	sshll.u32 s0, $0xA;
	s2 =	sadd.s32 s3, s2  }
0x8d: {  	s2 =	sadd.s32 s2, s17  }
0x8e: {  	[smem:$0x3FC4] =	sst s2  }
0x8f: {  	_ = 	snop  }
0x90: {  	s2 =	sld [smem:$0x3FD0];
	(tm) =	ssettm $0x1  }
0x91: {  	s18 =	sld [smem:$0x3FFB];
	_ =	sdelay $0x3  }
0x92: {  	_ =	strace s18  }
0x93: {  	s3 =	sld [smem:$0x3FFC];
	_ =	sdelay $0x3  }
0x94: {  	_ =	strace s3  }
0x95: {  	s3 =	sld [smem:$0x3FFD];
	_ =	sdelay $0x3  }
0x96: {  	_ =	strace s3  }
0x97: {  	_ =	strace $0x8FFFFFFF  }
0x98: {  	s19 =	sld [smem:$0x3FDB];
	_ =	sdelay $0x1  }
0x99: {  	s4 =	simm.s32 $_scs_section_size  }
0x9a: {  	s5 =	simm.s32 $_size__tile_overlayer_lowered;
	s6 =	simm.s32 $_tile_overlayer_lowered  }
0x9b: {  	s22 =	simm.s32 $0x1BFF;
	s21 =	sshll.u32 s6, $0x1;
	s3 =	sadd.s32 s4, s19  }
0x9c: {  	s7 =	simm.s32 $0x0;
	s20 =	sshll.u32 s5, $0x1;
	s5 =	sadd.s32 s21, s3  }
0x9d: {  	[timem:s7], [sflag:s22] =	dma.local [hbm:s5], s20  }
0x9e: {  	_ =	swait.ge [sflag:s22], s20  }
0x9f: {  	s4 =	ssub.s32 $0x0, s20;
	[sflag:s22] =	ssyncset.done $0x0  }
0xa0: {  	[sflag:s22] =	ssyncadd.s32 s4;
	_ =	sdelay $0x1  }
0xa1: {  	s23 =	simm.s32 $0x1B8B  }
0xa2: {  	_ =	swait.ge [sflag:s23], $0x1  }
0xa3: {  	[sflag:s23] =	ssyncset.done $0x0  }
0xa4: {  	s25 =	simm.s32 $0x1B8E;
	s24 =	sld [smem:$0x3FFE];
	[sflag:s23] =	ssyncadd.s32 $0xFFFFFFFF  }
0xa5: {  	s26 =	simm.s32 $execute0_lowered;
	[smem:$0x3FD2] =	sst s25  }
0xa6: {  	s5 =	sshll.u32 s26, $0x1;
	_ =	strace $0x8000004C;
	[dreg:$0x1] =	wrdreg $0xFFFFFFFF  }
0xa7: {  	s28 =	simm.s32 $_size_execute0_lowered;
	s3 =	sadd.s32 s3, s5;
	[dreg:$0x0] =	wrdreg $0x0  }
0xa8: {  	s5 =	sshll.u32 s28, $0x1;
	[dreg:$0x2] =	wrdreg s3  }
0xa9: {  	[dreg:$0x3] =	wrdreg s5  }
0xaa: {  	[dreg:$0x4] =	wrdreg $0xC0  }
0xab: {  	_ =	task [dreg:s7], $0x5FFFF  }
0xac: {  	[dreg:$0x1] =	wrdreg $0xFFFFFFFF  }
0xad: {  	[dreg:$0x0] =	wrdreg $0x60  }
0xae: {  	[dreg:$0x2] =	wrdreg s24  }
0xaf: {  	[dreg:$0x3] =	wrdreg s2  }
0xb0: {  	[dreg:$0x4] =	wrdreg $0xBC000  }
0xb1: {  	[dreg:$0x5] =	wrdreg $0x9  }
0xb2: {  	_ =	task.clear_ibuf [dreg:s7], $0x6FFFF;
	_ =	strace $0x9000004C  }
0xb3: {  	s29 =	simm.s32 $0x9;
	_ =	strace $0x8000004E  }
0xb4: {  	_ =	swait.ge [sflag:s29], $0x1  }
0xb5: {  	[sflag:s29] =	ssyncadd.s32 $0xFFFFFFFF  }
0xb6: {  	_ =	strace $0x9000004E  }
0xb7: {  	_ =	sfence  }
0xb8: {  	s30 =	sld [smem:$0x0];
	_ =	sdelay $0x2  }
0xb9: {  	s31 =	sshll.u32 s1, $0xD;
	s1 =	sshrl.u32 s1, $0x2  }
0xba: {  	s3 =	sand.u32 $0x4000, s31;
	s1 =	sadd.s32 s1, s30  }
0xbb: {  	s0 =	sor.u32 s3, s0;
	s1 =	sshll.u32 s1, $0x11  }
0xbc: {  	s0 =	sor.u32 s1, s0  }
0xbd: {  	s0 =	sadd.s32 $0x8F2B, s0  }
0xbe: {  	[sflag:s0] =	ssyncadd.remote.s32 $0x1  }
0xbf: {  	_ =	sfence.sel $0xFFFF  }
0xc0: {  	[dreg:$0x0] =	wrdreg $0xFFFFFFFF;
	(pc) =	sbr.abs _section_cstart, $3  }
0xc1: {  	[dreg:$0x1] =	wrdreg $0xFFFFFFFF  }
0xc2: {  	_ =	task.clear_ibuf [dreg:s7], $0x2FFFF;
	_ =	strace $0x9FFFFFFF  }
0xc3: {  	(tm) =	ssettm $0x7FFFFFFF  }
tec
execute0_lowered:
.L_overlay_start_1:
0x0: {  	(tag) =	ssettag $0x1  }
0x1: {  	s6 =	rddreg [dreg:$0x0]  }
0x2: {  	s0 =	srdreg.scid;
	s7 =	rddreg [dreg:$0x1]  }
0x3: {  	s2 =	rddreg [dreg:$0x2];
	s3 =	simm.s32 $0x0;
	s15 =	simm.s32 $0x3C00  }
0x4: {  	s16 =	simm.s32 $0x7C00;
	s17 =	simm.s32 $0x2800;
	s18 =	simm.s32 $0x1  }
0x5: {  	s19 =	simm.s32 $0x2;
	s20 =	simm.s32 $0x3;
	s21 =	simm.s32 $0x4  }
0x6: {  	s22 =	simm.s32 $0x3B00;
	s23 =	simm.s32 $0x3B80;
	s5 =	sand.u32 $0x1, s0  }
0x7: {  	s24 =	simm.s32 $0x0;
	s0 =	stileid.u32;
	s8 =	smul.u32 $0x140000, s5  }
0x8: {  	[smem:$0x7FF] =	sst s3;
	s1 =	sshll.u32 s5, $0x4;
	s10 =	smul.u32 $0x14000, s0  }
0x9: {  	s28 =	ssub.s32 $0x2, s5;
	s12 =	smul.u32 $0x50000, s0;
	s5 =	sadd.s32 $0x2600, s6  }
0xa: {  	s31 =	sshll.u32 s0, $0x6;
	s1 =	sor.u32 s0, s1;
	s13 =	sshrl.u32 s28, $0x1  }
0xb: {  	s4 =	smul.u32 $0x2800, s1;
	s1 =	rddreg [dreg:$0x3];
	_ =	strace $0x8000004D  }
0xc: {  	s8 =	sadd.s32 s10, s8;
	s10 =	ssub.s32 s28, s13;
	s29 =	sshrl.u32 s12, $0x2  }
0xd: {  	s12 =	sor.u32 $0x1C05, s31;
	s8 =	sshrl.u32 s8, $0x3;
	s30 =	sadd.s32 s29, s2  }
0xe: {  	s10 =	smax.u32 s10, $0x1;
	s9 =	sshrl.u32 s4, $0x3;
	s4 =	sadd.s32 $0x16600, s6  }
0xf: {  	s14 =	sadd.s32 s8, s6;
	s13 =	sshrl.u32 s30, $0x3;
	s11 =	sadd.s32 s9, s6  }
0x10: {  	s6 =	sadd.s32 s7, s9;
	s9 =	sadd.s32 $0x3E600, s14;
	s14 =	simm.s32 $0x80  }
0x11: {  	s7 =	sadd.s32 $0xC600, s11;
	s8 =	sadd.s32 $0xC880, s11;
	s11 =	simm.s32 $0x5  }
.LBB2_1:
0x12: {  	[tilespmem:s3], [sflag:$0x5] =	stream.linear.gather [hbm4b:s6+s3], $0x2800, $0x38;
	[tilespmem:$0x1FC00] =	vst v63  }
0x13: {  	_ =	swait.ge [sflag:s11], $0x2800  }
0x14: {  	[sflag:s11] =	ssyncset.done $0x0  }
0x15: {  	[sflag:s11] =	ssyncadd.s32 $0xFFFFD800  }
0x16: {  	[spmem:s13], [sflag:s12] =	dma.local [hbm:s5], $0x2800  }
0x17: {  	_ =	swait.ge [sflag:s11], $0x2800  }
0x18: {  	[sflag:s11] =	ssyncset.done $0x0  }
0x19: {  	[sflag:s11] =	ssyncadd.s32 $0xFFFFD800  }
0x1a: {  	[bflag:$0x0] =	sbarrier.arrive $0xFFFF  }
0x1b: {  	[tilespmem:s15], [sflag:$0x1] =	stream.indirect.gather [hbm4b:s4+s14], $0x80, s3, s14, $0xb8;
	[tilespmem:$0x1FC00] =	vst v63  }
0x1c: {  	_ = 	snop  }
0x1d: {  	[tilespmem:s16], [sflag:$0x2] =	stream.indirect.gather [hbm4b:s4+s14], $0x80, s14, s14, $0xb8;
	[tilespmem:$0x1FC00] =	vst v63  }
0x1e: {  	_ = 	snop  }
0x1f: {  	[tilespmem:s17], [sflag:$0x5] =	stream.linear.gather [hbm4b:s7+s3], $0x1400, $0x38;
	[tilespmem:$0x1FC00] =	vst v63  }
0x20: {  	_ =	swait.ge [sflag:s11], $0x1400  }
0x21: {  	[sflag:s11] =	ssyncset.done $0x0  }
0x22: {  	[sflag:s11] =	ssyncadd.s32 $0xFFFFEC00  }
0x23: {  	_ =	swait.ge [sflag:s18], $0x4000  }
0x24: {  	[sflag:s18] =	ssyncset.done $0x0  }
0x25: {  	s25 =	simm.s32 $0x2800;
	[sflag:s18] =	ssyncadd.s32 $0xFFFFC000  }
0x26: {  	[spmem:s2] =	stream.indirect.scatter.add.f32 [tilespmem:s15], [sflag:$0x3], $0x80, s25, s14, $0xb8;
	[tilespmem:$0x1FC00] =	vst v63  }
0x27: {  	_ =	swait.ge [sflag:s19], $0x4000  }
0x28: {  	[sflag:s19] =	ssyncset.done $0x0  }
0x29: {  	s30 =	simm.s32 $0x2880;
	[sflag:s19] =	ssyncadd.s32 $0xFFFFC000  }
0x2a: {  	[spmem:s2] =	stream.indirect.scatter.add.f32 [tilespmem:s16], [sflag:$0x4], $0x80, s30, s14, $0xb8;
	[tilespmem:$0x1FC00] =	vst v63  }
0x2b: {  	_ =	swait.ge [sflag:s20], $0x4000  }
0x2c: {  	[sflag:s20] =	ssyncset.done $0x0  }
0x2d: {  	s31 =	simm.s32 $0x100;
	[sflag:s20] =	ssyncadd.s32 $0xFFFFC000  }
0x2e: {  	[tilespmem:s15], [sflag:$0x1] =	stream.indirect.gather [hbm4b:s4+s14], $0x80, s31, s14, $0xb8;
	[tilespmem:$0x1FC00] =	vst v63  }
0x2f: {  	_ =	swait.ge [sflag:s21], $0x4000  }
0x30: {  	[sflag:s21] =	ssyncset.done $0x0  }
0x31: {  	s26 =	simm.s32 $0x180;
	s25 =	simm.s32 $0x400;
	[sflag:s21] =	ssyncadd.s32 $0xFFFFC000  }
.LBB2_2:
0x32: {  	[tilespmem:s16], [sflag:$0x2] =	stream.indirect.gather [hbm4b:s4+s14], $0x80, s26, s14, $0xb8;
	[tilespmem:$0x1FC00] =	vst v63  }
0x33: {  	s26 =	smov.u32 s25  }
0x34: {  	p0 =	sne.s32 s25, $0x4C00;
	s25 =	sadd.s32 $0x400, s25;
	_ =	swait.ge [sflag:s18], $0x4000  }
0x35: {  	s26 =	sshra.s32 s26, $0x2;
	[sflag:s18] =	ssyncset.done $0x0  }
0x36: {  	s28 =	sadd.s32 $0x2800, s26;
	[sflag:s18] =	ssyncadd.s32 $0xFFFFC000  }
0x37: {  	[spmem:s2] =	stream.indirect.scatter.add.f32 [tilespmem:s15], [sflag:$0x3], $0x80, s28, s14, $0xb8;
	[tilespmem:$0x1FC00] =	vst v63  }
0x38: {  	_ =	swait.ge [sflag:s19], $0x4000  }
0x39: {  	[sflag:s19] =	ssyncset.done $0x0  }
0x3a: {  	s28 =	sadd.s32 $0x2880, s26;
	[sflag:s19] =	ssyncadd.s32 $0xFFFFC000  }
0x3b: {  	[spmem:s2] =	stream.indirect.scatter.add.f32 [tilespmem:s16], [sflag:$0x4], $0x80, s28, s14, $0xb8;
	[tilespmem:$0x1FC00] =	vst v63  }
0x3c: {  	_ =	swait.ge [sflag:s20], $0x4000  }
0x3d: {  	[sflag:s20] =	ssyncset.done $0x0  }
.Ltmp0:
0x3e: {  	s28 =	sadd.s32 $0x100, s26;
	[sflag:s20] =	ssyncadd.s32 $0xFFFFC000;
	(pc) =	sbr.rel @p0 .LBB2_2-.Ltmp0, $4  }
0x3f: {  	[tilespmem:s15], [sflag:$0x1] =	stream.indirect.gather [hbm4b:s4+s14], $0x80, s28, s14, $0xb8;
	[tilespmem:$0x1FC00] =	vst v63  }
0x40: {  	_ =	swait.ge [sflag:s21], $0x4000  }
0x41: {  	[sflag:s21] =	ssyncset.done $0x0  }
0x42: {  	s26 =	sadd.s32 $0x180, s26;
	[sflag:s21] =	ssyncadd.s32 $0xFFFFC000  }
0x43: {  	[tilespmem:s16], [sflag:$0x2] =	stream.indirect.gather [hbm4b:s4+s14], $0x80, s26, s14, $0xb8;
	[tilespmem:$0x1FC00] =	vst v63  }
0x44: {  	s25 =	simm.s32 $0x0  }
0x45: {  	[tilespmem:s17], [sflag:$0x5] =	stream.linear.gather [hbm4b:s8+s25], $0x1400, $0x38;
	[tilespmem:$0x1FC00] =	vst v63  }
0x46: {  	_ =	swait.ge [sflag:s11], $0x1400  }
0x47: {  	[sflag:s11] =	ssyncset.done $0x0  }
0x48: {  	[sflag:s11] =	ssyncadd.s32 $0xFFFFEC00  }
0x49: {  	_ =	swait.ge [sflag:s18], $0x4000  }
0x4a: {  	[sflag:s18] =	ssyncset.done $0x0  }
0x4b: {  	s29 =	simm.s32 $0x2800;
	[sflag:s18] =	ssyncadd.s32 $0xFFFFC000  }
0x4c: {  	[spmem:s2] =	stream.indirect.scatter.add.f32 [tilespmem:s15], [sflag:$0x3], $0x80, s29, s14, $0xb8;
	[tilespmem:$0x1FC00] =	vst v63  }
0x4d: {  	_ =	swait.ge [sflag:s19], $0x4000  }
0x4e: {  	[sflag:s19] =	ssyncset.done $0x0  }
0x4f: {  	s30 =	simm.s32 $0x2880;
	[sflag:s19] =	ssyncadd.s32 $0xFFFFC000  }
0x50: {  	[spmem:s2] =	stream.indirect.scatter.add.f32 [tilespmem:s16], [sflag:$0x4], $0x80, s30, s14, $0xb8;
	[tilespmem:$0x1FC00] =	vst v63  }
0x51: {  	_ =	swait.ge [sflag:s20], $0x4000  }
0x52: {  	[sflag:s20] =	ssyncset.done $0x0  }
0x53: {  	s31 =	simm.s32 $0x1500;
	[sflag:s20] =	ssyncadd.s32 $0xFFFFC000  }
0x54: {  	[tilespmem:s15], [sflag:$0x1] =	stream.indirect.gather [hbm4b:s4+s14], $0x80, s31, s14, $0xb8;
	[tilespmem:$0x1FC00] =	vst v63  }
0x55: {  	_ =	swait.ge [sflag:s21], $0x4000  }
0x56: {  	[sflag:s21] =	ssyncset.done $0x0  }
0x57: {  	s26 =	simm.s32 $0x1580;
	s25 =	simm.s32 $0x400;
	[sflag:s21] =	ssyncadd.s32 $0xFFFFC000  }
.LBB2_4:
0x58: {  	[tilespmem:s16], [sflag:$0x2] =	stream.indirect.gather [hbm4b:s4+s14], $0x80, s26, s14, $0xb8;
	[tilespmem:$0x1FC00] =	vst v63  }
0x59: {  	s26 =	smov.u32 s25  }
0x5a: {  	p0 =	sne.s32 s25, $0x4800;
	s25 =	sadd.s32 $0x400, s25;
	_ =	swait.ge [sflag:s18], $0x4000  }
0x5b: {  	s26 =	sshra.s32 s26, $0x2;
	[sflag:s18] =	ssyncset.done $0x0  }
0x5c: {  	s28 =	sadd.s32 $0x2800, s26;
	[sflag:s18] =	ssyncadd.s32 $0xFFFFC000  }
0x5d: {  	[spmem:s2] =	stream.indirect.scatter.add.f32 [tilespmem:s15], [sflag:$0x3], $0x80, s28, s14, $0xb8;
	[tilespmem:$0x1FC00] =	vst v63  }
0x5e: {  	_ =	swait.ge [sflag:s19], $0x4000  }
0x5f: {  	[sflag:s19] =	ssyncset.done $0x0  }
0x60: {  	s28 =	sadd.s32 $0x2880, s26;
	[sflag:s19] =	ssyncadd.s32 $0xFFFFC000  }
0x61: {  	[spmem:s2] =	stream.indirect.scatter.add.f32 [tilespmem:s16], [sflag:$0x4], $0x80, s28, s14, $0xb8;
	[tilespmem:$0x1FC00] =	vst v63  }
0x62: {  	_ =	swait.ge [sflag:s20], $0x4000  }
0x63: {  	[sflag:s20] =	ssyncset.done $0x0  }
.Ltmp1:
0x64: {  	s28 =	sadd.s32 $0x1500, s26;
	[sflag:s20] =	ssyncadd.s32 $0xFFFFC000;
	(pc) =	sbr.rel @p0 .LBB2_4-.Ltmp1, $4  }
0x65: {  	[tilespmem:s15], [sflag:$0x1] =	stream.indirect.gather [hbm4b:s4+s14], $0x80, s28, s14, $0xb8;
	[tilespmem:$0x1FC00] =	vst v63  }
0x66: {  	_ =	swait.ge [sflag:s21], $0x4000  }
0x67: {  	[sflag:s21] =	ssyncset.done $0x0  }
0x68: {  	s26 =	sadd.s32 $0x1580, s26;
	[sflag:s21] =	ssyncadd.s32 $0xFFFFC000  }
0x69: {  	[tilespmem:s16], [sflag:$0x2] =	stream.indirect.gather [hbm4b:s4+s14], $0x80, s26, s14, $0xb8;
	[tilespmem:$0x1FC00] =	vst v63  }
0x6a: {  	_ =	swait.ge [sflag:s18], $0x4000  }
0x6b: {  	[sflag:s18] =	ssyncset.done $0x0  }
0x6c: {  	[sflag:s18] =	ssyncadd.s32 $0xFFFFC000  }
0x6d: {  	[spmem:s2] =	stream.indirect.scatter.add.f32 [tilespmem:s15], [sflag:$0x3], $0x80, s22, s14, $0xb8;
	[tilespmem:$0x1FC00] =	vst v63  }
0x6e: {  	_ =	swait.ge [sflag:s19], $0x4000  }
0x6f: {  	[sflag:s19] =	ssyncset.done $0x0  }
0x70: {  	[sflag:s19] =	ssyncadd.s32 $0xFFFFC000  }
0x71: {  	[spmem:s2] =	stream.indirect.scatter.add.f32 [tilespmem:s16], [sflag:$0x4], $0x80, s23, s14, $0xb8;
	[tilespmem:$0x1FC00] =	vst v63  }
0x72: {  	_ =	swait.ge [sflag:s20], $0x4000  }
0x73: {  	[sflag:s20] =	ssyncset.done $0x0  }
0x74: {  	[sflag:s20] =	ssyncadd.s32 $0xFFFFC000  }
0x75: {  	_ =	swait.ge [sflag:s21], $0x4000  }
0x76: {  	s24 =	sadd.s32 $0x1, s24;
	[sflag:s21] =	ssyncset.done $0x0  }
0x77: {  	p0 =	sne.s32 s24, s10;
	[sflag:s21] =	ssyncadd.s32 $0xFFFFC000  }
.Ltmp2:
0x78: {  	[bflag:$0x0] =	sbarrier.arrive $0xFFFF;
	(pc) =	sbr.rel @p0 .LBB2_1-.Ltmp2, $4  }
0x79: {  	[hbm:s9], [sflag:s12] =	dma.local [spmem:s13], $0x2800  }
0x7a: {  	_ =	swait.ge [sflag:s11], $0x2800  }
0x7b: {  	[sflag:s11] =	ssyncset.done $0x0  }
0x7c: {  	[sflag:s11] =	ssyncadd.s32 $0xFFFFD800  }
0x7d: {  	_ =	sfence.sel $0x180000  }
0x7e: {  	[bflag:$0x0] =	sbarrier.arrive $0xFFFF  }
0x7f: {  	p0 =	sne.s32 s0, $0x0;
	_ =	strace $0x9000004D  }
0x80: {  	s0 =	sadd.s32 @!p0 $0x100000, s1;
	[bflag:$0x2] =	sbarrier.arrive $0xFFFF  }
0x81: {  	[sflag:s0] =	ssyncadd.tile.s32 @!p0 $0x1;
	_ =	shalt  }
.Lfunc_end2:
_tile_overlayer_lowered:
.L_overlay_start_2:
0x82: {  	(tag) =	ssettag $0x2  }
0x83: {  	s0 =	rddreg [dreg:$0x0];
	s2 =	stileid.u32  }
0x84: {  	s1 =	rddreg [dreg:$0x1];
	p0 =	sne.s32 s2, $0x0  }
0x85: {  	s3 =	rddreg [dreg:$0x2];
	[bflag:$0x3] =	sbarrier.arrive $0xFFFF;
	s2 =	simm.s32 @!p0 $0x1C05  }
0x86: {  	[timem:s3], [sflag:s2] =	dma.local @!p0 [hbm:s0], s1  }
0x87: {  	s0 =	simm.s32 @!p0 $0x5  }
0x88: {  	_ =	swait.ge @!p0 [sflag:s0], s1  }
0x89: {  	s1 =	ssub.s32 @!p0 $0x0, s1;
	[sflag:s0] =	ssyncset.done @!p0 $0x0  }
0x8a: {  	[sflag:s0] =	ssyncadd.s32 @!p0 s1  }
0x8b: {  	[bflag:$0x3] =	sbarrier.arrive $0xFFFF  }
0x8c: {  	_ =	shalt  }

// kernel: kernel.8.cloned.1.call-start
scs
__scs_entry_jumppad:
0x0: {  	(pc) =	sbr.rel $0x88, $3  }
0x1: {  	(tag) =	ssettag $0x0;
	lr =	simm.s32 $0x1  }
0x2: {  	[smem:$0x3F9D] =	sst lr;
	_ =	strace $0xD0000000  }
0x3: {  	_ = 	snop  }
0x4: {  	_ = 	snop  }
0x5: {  	_ = 	snop  }
0x6: {  	_ = 	snop  }
0x7: {  	_ = 	snop  }
__scs_overlays_trampoline_lowered:
0x8: {  	[smem:$0x3FAC] =	sst s0  }
0x9: {  	[smem:$0x3FAD] =	sst s1  }
0xa: {  	[smem:$0x3FAE] =	sst s2  }
0xb: {  	[smem:$0x3FAF] =	sst s3  }
0xc: {  	[smem:$0x3FB0] =	sst s4  }
0xd: {  	[smem:$0x3FB1] =	sst s5  }
0xe: {  	[smem:$0x3FB2] =	sst s6  }
0xf: {  	[smem:$0x3FB3] =	sst s7  }
0x10: {  	[smem:$0x3FB4] =	sst s8  }
0x11: {  	[smem:$0x3FB5] =	sst s9;
	s0 =	simm.s32 @!p0 $0x0  }
0x12: {  	s1 =	sld [smem:$0x3F9B];
	s0 =	simm.s32 @p0 $0x1  }
0x13: {  	[smem:$0x3FB6] =	sst s0;
	s0 =	simm.s32 @!p1 $0x0  }
0x14: {  	s2 =	sld [smem:$0x3F9A];
	s0 =	simm.s32 @p1 $0x1  }
0x15: {  	[smem:$0x3FB7] =	sst s0;
	s0 =	simm.s32 @!p2 $0x0  }
0x16: {  	s3 =	sld [smem:$0x3FDB];
	s0 =	simm.s32 @p2 $0x1  }
0x17: {  	s4 =	simm.s32 $0x1BF5;
	[smem:$0x3FB9] =	sst s0  }
0x18: {  	s0 =	sld [smem:$0x3F9C];
	_ =	swait.ge [sflag:s4], $0x0  }
0x19: {  	s7 =	sld [smem:$0x3F9D]  }
0x1a: {  	s8 =	sadd.s32 $0xFFFFE003, lr  }
0x1b: {  	s9 =	sadd.s32 $0xFFFFFEF7, lr;
	s5 =	simm.s32 $0xFFFFFFFF;
	p2 =	slt.u32 s8, $0xFFFFF086  }
0x1c: {  	p1 =	slt.u32 s9, $0xF7A;
	s5 =	simm.s32 @!p2 $0x0  }
0x1d: {  	s5 =	simm.s32 @p1 $0x1;
	p0 =	seq.s32 s7, s2  }
0x1e: {  	s7 =	smul.u32 @!p0 $0xF7A, s2;
	p2 =	seq.s32 @!p0 s5, $0x0  }
0x1f: {  	s9 =	smul.u32 $0xF7A, s1;
	s8 =	simm.s32 @!p0 $0x1BF5;
	p2 =	por !p2, p0  }
0x20: {  	[sflag:s8] =	ssyncset.s32 @!p0 $0xFFFFF086;
	s6 =	sadd.s32 @!p0 s3, s7;
	s7 =	simm.s32 @!p0 $0x108  }
0x21: {  	s3 =	sadd.s32 s3, s9;
	s6 =	sadd.s32 @!p0 $0x88, s6;
	s7 =	simm.s32 @p2 $0x1082  }
0x22: {  	[simem:s7], [sflag:s8] =	dma.local @!p0 [hbm:s6], $0xF7A  }
0x23: {  	s9 =	sor.u32 $0xD0000000, s2;
	s6 =	simm.s32 $0x108;
	_ =	swait.ge @!p0 [sflag:s8], $0x0  }
0x24: {  	s3 =	sadd.s32 $0x88, s3;
	s6 =	simm.s32 @!p1 $0x1082;
	[sflag:s4] =	ssyncset.s32 $0xFFFFF086  }
0x25: {  	[simem:s6], [sflag:s4] =	dma.local [hbm:s3], $0xF7A  }
0x26: {  	[smem:$0x3F9D] =	sst s1;
	(tag) =	ssettag s2;
	_ =	strace s9  }
0x27: {  	s1 =	sld [smem:$0x3FAD]  }
0x28: {  	s2 =	sld [smem:$0x3FAE]  }
0x29: {  	s4 =	sld [smem:$0x3FB0]  }
0x2a: {  	p0 =	seq.s32 s5, $0x0;
	s5 =	sld [smem:$0x3FB1]  }
0x2b: {  	s6 =	sld [smem:$0x3FB2]  }
0x2c: {  	s7 =	sld [smem:$0x3FB3]  }
0x2d: {  	s3 =	simm.s32 $0x108;
	s8 =	sld [smem:$0x3FB4]  }
0x2e: {  	s3 =	simm.s32 @!p0 $0x1082;
	s9 =	sld [smem:$0x3FB5]  }
0x2f: {  	lr =	sadd.s32 s0, s3;
	s0 =	sld [smem:$0x3FAC]  }
0x30: {  	s3 =	sld [smem:$0x3FAF]  }
0x31: {  	[smem:$0x3FB8] =	sst s10  }
0x32: {  	s10 =	sld [smem:$0x3FB6];
	_ =	sdelay $0x3  }
0x33: {  	p0 =	seq.s32 s10, $0x1;
	s10 =	sld [smem:$0x3FB8];
	_ =	sdelay $0x3  }
0x34: {  	[smem:$0x3FB8] =	sst s10  }
0x35: {  	s10 =	sld [smem:$0x3FB7];
	_ =	sdelay $0x3  }
0x36: {  	p1 =	seq.s32 s10, $0x1;
	s10 =	sld [smem:$0x3FB8];
	_ =	sdelay $0x3  }
0x37: {  	[smem:$0x3FB8] =	sst s10  }
0x38: {  	s10 =	sld [smem:$0x3FB9]  }
0x39: {  	_ = 	snop;
	(pc) =	sbr.ind lr, $3  }
0x3a: {  	_ = 	snop  }
0x3b: {  	_ = 	snop  }
0x3c: {  	p2 =	seq.s32 s10, $0x1;
	s10 =	sld [smem:$0x3FB8]  }
0x3d: {  	_ =	shalt  }
0x3e: {  	_ =	shalt  }
0x3f: {  	_ =	shalt  }
0x40: {  	_ =	shalt  }
0x41: {  	_ =	shalt  }
0x42: {  	_ =	shalt  }
0x43: {  	_ =	shalt  }
0x44: {  	_ =	shalt  }
0x45: {  	_ =	shalt  }
0x46: {  	_ =	shalt  }
0x47: {  	_ =	shalt  }
0x48: {  	_ =	shalt  }
0x49: {  	_ =	shalt  }
0x4a: {  	_ =	shalt  }
0x4b: {  	_ =	shalt  }
0x4c: {  	_ =	shalt  }
0x4d: {  	_ =	shalt  }
0x4e: {  	_ =	shalt  }
0x4f: {  	_ =	shalt  }
0x50: {  	_ =	shalt  }
0x51: {  	_ =	shalt  }
0x52: {  	_ =	shalt  }
0x53: {  	_ =	shalt  }
0x54: {  	_ =	shalt  }
0x55: {  	_ =	shalt  }
0x56: {  	_ =	shalt  }
0x57: {  	_ =	shalt  }
0x58: {  	_ =	shalt  }
0x59: {  	_ =	shalt  }
0x5a: {  	_ =	shalt  }
0x5b: {  	_ =	shalt  }
0x5c: {  	_ =	shalt  }
0x5d: {  	_ =	shalt  }
0x5e: {  	_ =	shalt  }
0x5f: {  	_ =	shalt  }
0x60: {  	_ =	shalt  }
0x61: {  	_ =	shalt  }
0x62: {  	_ =	shalt  }
0x63: {  	_ =	shalt  }
0x64: {  	_ =	shalt  }
0x65: {  	_ =	shalt  }
0x66: {  	_ =	shalt  }
0x67: {  	_ =	shalt  }
0x68: {  	_ =	shalt  }
0x69: {  	_ =	shalt  }
0x6a: {  	_ =	shalt  }
0x6b: {  	_ =	shalt  }
0x6c: {  	_ =	shalt  }
0x6d: {  	_ =	shalt  }
0x6e: {  	_ =	shalt  }
0x6f: {  	_ =	shalt  }
0x70: {  	_ =	shalt  }
0x71: {  	_ =	shalt  }
0x72: {  	_ =	shalt  }
0x73: {  	_ =	shalt  }
0x74: {  	_ =	shalt  }
0x75: {  	_ =	shalt  }
0x76: {  	_ =	shalt  }
0x77: {  	_ =	shalt  }
0x78: {  	_ =	shalt  }
0x79: {  	_ =	shalt  }
0x7a: {  	_ =	shalt  }
0x7b: {  	_ =	shalt  }
0x7c: {  	_ =	shalt  }
0x7d: {  	_ =	shalt  }
0x7e: {  	_ =	shalt  }
0x7f: {  	_ =	shalt  }
0x80: {  	_ =	shalt  }
0x81: {  	_ =	shalt  }
0x82: {  	_ =	shalt  }
0x83: {  	_ =	shalt  }
0x84: {  	_ =	shalt  }
0x85: {  	_ =	shalt  }
0x86: {  	_ =	shalt  }
0x87: {  	_ =	shalt  }
.Lfunc_end0:
.L_simem_size_0:
called_computation_lowered:
.L_overlay_start_0:
0x88: {  	s2 =	sld [smem:$0x3FD9]  }
0x89: {  	s3 =	sld [smem:$0x3FFE];
	_ =	sdelay $0x1  }
0x8a: {  	s1 =	srdreg.scid  }
0x8b: {  	s0 =	sand.u32 $0x1, s1  }
0x8c: {  	s17 =	sshll.u32 s0, $0xA;
	s2 =	sadd.s32 s3, s2  }
0x8d: {  	s2 =	sadd.s32 s2, s17  }
0x8e: {  	[smem:$0x3FC4] =	sst s2  }
0x8f: {  	_ = 	snop  }
0x90: {  	s2 =	sld [smem:$0x3FC8];
	(tm) =	ssettm $0x1  }
0x91: {  	s18 =	sld [smem:$0x3FFB];
	_ =	sdelay $0x3  }
0x92: {  	_ =	strace s18  }
0x93: {  	s3 =	sld [smem:$0x3FFC];
	_ =	sdelay $0x3  }
0x94: {  	_ =	strace s3  }
0x95: {  	s3 =	sld [smem:$0x3FFD];
	_ =	sdelay $0x3  }
0x96: {  	_ =	strace s3  }
0x97: {  	_ =	strace $0x8FFFFFFF  }
0x98: {  	s19 =	sld [smem:$0x3FDB];
	_ =	sdelay $0x1  }
0x99: {  	s4 =	simm.s32 $_scs_section_size  }
0x9a: {  	s5 =	simm.s32 $_size__tile_overlayer_lowered;
	s6 =	simm.s32 $_tile_overlayer_lowered  }
0x9b: {  	s22 =	simm.s32 $0x1BFF;
	s21 =	sshll.u32 s6, $0x1;
	s3 =	sadd.s32 s4, s19  }
0x9c: {  	s7 =	simm.s32 $0x0;
	s20 =	sshll.u32 s5, $0x1;
	s5 =	sadd.s32 s21, s3  }
0x9d: {  	[timem:s7], [sflag:s22] =	dma.local [hbm:s5], s20  }
0x9e: {  	_ =	swait.ge [sflag:s22], s20  }
0x9f: {  	s4 =	ssub.s32 $0x0, s20;
	[sflag:s22] =	ssyncset.done $0x0  }
0xa0: {  	[sflag:s22] =	ssyncadd.s32 s4;
	_ =	sdelay $0x1  }
0xa1: {  	s23 =	simm.s32 $0x1B8B  }
0xa2: {  	_ =	swait.ge [sflag:s23], $0x1  }
0xa3: {  	[sflag:s23] =	ssyncset.done $0x0  }
0xa4: {  	s25 =	simm.s32 $0x1B8E;
	s24 =	sld [smem:$0x3FFE];
	[sflag:s23] =	ssyncadd.s32 $0xFFFFFFFF  }
0xa5: {  	s26 =	simm.s32 $execute0_lowered;
	[smem:$0x3FD2] =	sst s25  }
0xa6: {  	s5 =	sshll.u32 s26, $0x1;
	_ =	strace $0x80000046;
	[dreg:$0x1] =	wrdreg $0xFFFFFFFF  }
0xa7: {  	s28 =	simm.s32 $_size_execute0_lowered;
	s3 =	sadd.s32 s3, s5;
	[dreg:$0x0] =	wrdreg $0x0  }
0xa8: {  	s5 =	sshll.u32 s28, $0x1;
	[dreg:$0x2] =	wrdreg s3  }
0xa9: {  	[dreg:$0x3] =	wrdreg s5  }
0xaa: {  	[dreg:$0x4] =	wrdreg $0xC0  }
0xab: {  	_ =	task [dreg:s7], $0x5FFFF  }
0xac: {  	[dreg:$0x1] =	wrdreg $0xFFFFFFFF  }
0xad: {  	[dreg:$0x0] =	wrdreg $0x60  }
0xae: {  	[dreg:$0x2] =	wrdreg s2  }
0xaf: {  	[dreg:$0x3] =	wrdreg s24  }
0xb0: {  	[dreg:$0x4] =	wrdreg $0x9  }
0xb1: {  	_ =	task.clear_ibuf [dreg:s7], $0x5FFFF;
	_ =	strace $0x90000046  }
0xb2: {  	s29 =	simm.s32 $0x9;
	_ =	strace $0x80000048  }
0xb3: {  	_ =	swait.ge [sflag:s29], $0x1  }
0xb4: {  	[sflag:s29] =	ssyncadd.s32 $0xFFFFFFFF  }
0xb5: {  	_ =	strace $0x90000048  }
0xb6: {  	_ =	sfence  }
0xb7: {  	s30 =	sld [smem:$0x0];
	_ =	sdelay $0x2  }
0xb8: {  	s31 =	sshll.u32 s1, $0xD;
	s1 =	sshrl.u32 s1, $0x2  }
0xb9: {  	s3 =	sand.u32 $0x4000, s31;
	s1 =	sadd.s32 s1, s30  }
0xba: {  	s0 =	sor.u32 s3, s0;
	s1 =	sshll.u32 s1, $0x11  }
0xbb: {  	s0 =	sor.u32 s1, s0  }
0xbc: {  	s0 =	sadd.s32 $0x8F2B, s0  }
0xbd: {  	[sflag:s0] =	ssyncadd.remote.s32 $0x1  }
0xbe: {  	_ =	sfence.sel $0xFFFF  }
0xbf: {  	[dreg:$0x0] =	wrdreg $0xFFFFFFFF;
	(pc) =	sbr.abs _section_cstart, $3  }
0xc0: {  	[dreg:$0x1] =	wrdreg $0xFFFFFFFF  }
0xc1: {  	_ =	task.clear_ibuf [dreg:s7], $0x2FFFF;
	_ =	strace $0x9FFFFFFF  }
0xc2: {  	(tm) =	ssettm $0x7FFFFFFF  }
0xc3: {  	_ =	shalt  }
tec
execute0_lowered:
.L_overlay_start_1:
0x0: {  	(tag) =	ssettag $0x1  }
0x1: {  	s5 =	rddreg [dreg:$0x0]  }
0x2: {  	s0 =	srdreg.scid;
	s6 =	rddreg [dreg:$0x1];
	s2 =	simm.s32 $0x0  }
0x3: {  	s9 =	simm.s32 $0x4F00;
	s10 =	simm.s32 $0x80;
	s3 =	sand.u32 $0x1, s0  }
0x4: {  	s11 =	simm.s32 $0x400;
	s0 =	stileid.u32;
	s1 =	sshll.u32 s3, $0x4  }
0x5: {  	s12 =	simm.s32 $0x0;
	s30 =	smul.u32 $0x2710, s0;
	s4 =	sor.u32 s0, s1  }
0x6: {  	[smem:$0x7FF] =	sst s2;
	s1 =	sshrl.u32 s4, $0x3;
	s4 =	smul.u32 $0x2710, s4  }
0x7: {  	s8 =	sshll.u32 s0, $0x7;
	s3 =	ssub.s32 $0x2, s3;
	s7 =	smul.u32 $0x14000, s1  }
0x8: {  	s8 =	sand.u32 $0x380, s8;
	s31 =	sshrl.u32 s3, $0x1;
	s1 =	rddreg [dreg:$0x2]  }
0x9: {  	_ =	strace $0x80000047;
	s4 =	sshrl.u32 s4, $0x2;
	s7 =	sor.u32 s8, s7  }
0xa: {  	s4 =	sand.u32 $0x1FFE0, s4;
	s8 =	sshrl.u32 s30, $0x4;
	s7 =	sshrl.u32 s7, $0x3  }
0xb: {  	s8 =	sand.u32 $0x7, s8;
	s6 =	sadd.s32 s7, s6;
	s7 =	ssub.s32 s3, s31  }
0xc: {  	s3 =	sadd.s32 s5, s4;
	s4 =	sadd.s32 $0x2600, s6;
	s5 =	smax.u32 s7, $0x1  }
0xd: {  	v0 =	vimm.f32 $0.0e+00;
	v1 =	vimm.f32 $1.000000000e+00;
	s6 =	sshll.u32 s8, $0x5;
	s7 =	sshll.u32 s8, $0x4;
	s8 =	simm.s32 $0x1  }
.LBB2_1:
0xe: {  	[tilespmem:s2], [sflag:$0x1] =	stream.linear.gather [hbm4b:s3+s2], $0x4F00, $0x38;
	[tilespmem:$0x7700] =	vst v63  }
0xf: {  	_ =	swait.ge [sflag:s8], $0x4F00  }
0x10: {  	[sflag:s8] =	ssyncset.done $0x0  }
0x11: {  	s13 =	simm.s32 $0x0;
	[sflag:s8] =	ssyncadd.s32 $0xFFFFB100  }
.LBB2_2:
0x12: {  	p0 =	sne.s32 s13, $0x9FC0  }
.Ltmp0:
0x13: {  	_ = 	snop;
	(pc) =	sbr.rel @p0 .LBB2_2-.Ltmp0, $3  }
0x14: {  	_ =	sdelay $0x1  }
0x15: {  	s14 =	sshra.s32 s13, $0x2  }
0x16: {  	s13 =	sadd.s32 $0x40, s13;
	[tilespmem:s14+$0x4F00] =	vst v0  }
0x17: {  	s13 =	sadd.s32 $0x0, s7  }
0x18: {  	s14 =	sand.u32 $0xFF00, s6;
	s13 =	sand.u32 $0x70, s13  }
0x19: {  	s13 =	sor.u32 s13, s14  }
0x1a: {  	v2 =	vld [tilespmem:s13+$0x80];
	_ =	sdelay $0x5  }
0x1b: {  	s15 =	sadd.s32 $0x10, s7;
	s14 =	simm.s32 $0x20;
	s13 =	sadd.s32 $0x20, s6  }
.LBB2_4:
0x1c: {  	p0 =	sne.s32 s14, $0x2700;
	s15 =	sand.u32 $0x70, s15;
	s16 =	sand.u32 $0xFF00, s13  }
0x1d: {  	s15 =	sor.u32 s15, s16;
	[tilespmem:v2+s9+$0x0] =	vst.idx.add.f32.msk $0xffff, v1  }
0x1e: {  	v2 =	vld [tilespmem:s15+$0x80];
	_ =	sdelay $0x1  }
.Ltmp1:
0x1f: {  	(pc) =	sbr.rel @p0 .LBB2_4-.Ltmp1, $2  }
0x20: {  	_ =	sdelay $0x2  }
0x21: {  	s13 =	sadd.s32 $0x20, s13;
	s15 =	sadd.s32 s14, s7;
	s14 =	sadd.s32 $0x10, s14  }
0x22: {  	_ =	sdelay $0x2  }
0x23: {  	s14 =	sand.u32 $0x70, s15;
	s13 =	sand.u32 $0xFF00, s13  }
0x24: {  	[tilespmem:v2+s9+$0x0] =	vst.idx.add.f32.msk $0xffff, v1;
	s13 =	sor.u32 s14, s13  }
0x25: {  	v2 =	vld [tilespmem:s13+$0x80];
	_ =	sdelay $0x5  }
0x26: {  	s12 =	sadd.s32 $0x1, s12  }
0x27: {  	p0 =	sne.s32 s12, s5  }
.Ltmp2:
0x28: {  	[tilespmem:v2+s9+$0x0] =	vst.idx.add.f32.msk $0xffff, v1;
	(pc) =	sbr.rel @p0 .LBB2_1-.Ltmp2, $4  }
0x29: {  	[hbm4b:s4+s10] =	stream.strided.scatter [tilespmem:s9], [sflag:$0x1], $0x2800, s11, s10, $0x38;
	[tilespmem:$0x7700] =	vst v63  }
0x2a: {  	_ =	swait.ge [sflag:s8], $0x2800  }
0x2b: {  	[sflag:s8] =	ssyncset.done $0x0  }
0x2c: {  	[sflag:s8] =	ssyncadd.s32 $0xFFFFD800  }
0x2d: {  	_ =	sfence.sel $0x180000  }
0x2e: {  	[bflag:$0x0] =	sbarrier.arrive $0xFFFF  }
0x2f: {  	p0 =	sne.s32 s0, $0x0;
	_ =	strace $0x90000047  }
0x30: {  	s0 =	sadd.s32 @!p0 $0x100000, s1;
	[bflag:$0x2] =	sbarrier.arrive $0xFFFF  }
0x31: {  	[sflag:s0] =	ssyncadd.tile.s32 @!p0 $0x1;
	_ =	shalt  }
.Lfunc_end2:
_tile_overlayer_lowered:
.L_overlay_start_2:
0x32: {  	(tag) =	ssettag $0x2  }
0x33: {  	s0 =	rddreg [dreg:$0x0];
	s2 =	stileid.u32  }
0x34: {  	s1 =	rddreg [dreg:$0x1];
	p0 =	sne.s32 s2, $0x0  }
0x35: {  	s3 =	rddreg [dreg:$0x2];
	[bflag:$0x3] =	sbarrier.arrive $0xFFFF;
	s2 =	simm.s32 @!p0 $0x1C01  }
0x36: {  	[timem:s3], [sflag:s2] =	dma.local @!p0 [hbm:s0], s1  }
0x37: {  	s0 =	simm.s32 @!p0 $0x1  }
0x38: {  	_ =	swait.ge @!p0 [sflag:s0], s1  }
0x39: {  	s1 =	ssub.s32 @!p0 $0x0, s1;
	[sflag:s0] =	ssyncset.done @!p0 $0x0  }
0x3a: {  	[sflag:s0] =	ssyncadd.s32 @!p0 s1  }
0x3b: {  	[bflag:$0x3] =	sbarrier.arrive $0xFFFF  }
0x3c: {  	_ =	shalt  }

</sc_bundles>
